<compile_context>
chip_gen: v7x
topology: tpu7x:2x2x1
jax: 0.10.2.dev20260603
libtpu: 0.0.44.dev20260713+nightly
codegen_flags: <defaults>
</compile_context>

<pallas_src>
import functools

import jax
import jax.numpy as jnp
from jax import lax
from jax.experimental import pallas as pl
from jax.experimental.pallas import tpu as pltpu
from jax.experimental.pallas import tpu_sc as plsc

T, H, I, E, K = 2048, 768, 3072, 8, 2
A = T * K
MAXH = 500.0
EPS = 1e-4
TILE = 128
R_PAD = A + E * TILE
NT = R_PAD // TILE
IB = 1536
NI = I // IB
ST = 256
NW = 32

_tc_call = pl.pallas_call


def _sc_mesh():
    return plsc.VectorSubcoreMesh(core_axis_name="c", subcore_axis_name="s")


def _clamp(x, m=MAXH):
    x = jnp.nan_to_num(x, nan=0.0, posinf=m, neginf=-m)
    return jnp.clip(x, -m, m)


def _silu(x):
    return x * (1.0 / (1.0 + jnp.exp(-x)))



def _router_body(x_ref, g_ref, b_ref, rw_ref, i0_ref, i1_ref, w0_ref, w1_ref,
                 aux_ref):
    x = _clamp(x_ref[...])
    mu = jnp.mean(x, axis=1, keepdims=True)
    var = jnp.mean((x - mu) ** 2, axis=1, keepdims=True)
    xn = (x - mu) * lax.rsqrt(var + 1e-5) * g_ref[...][None, :] + b_ref[...][None, :]
    xn = _clamp(xn, 50.0)
    logits = lax.dot_general(xn, rw_ref[...], (((1,), (1,)), ((), ())),
                             preferred_element_type=jnp.float32)
    logits = jnp.clip(logits, -10.0, 10.0)
    m = jnp.max(logits, axis=1, keepdims=True)
    ex = jnp.exp(logits - m)
    probs = jnp.clip(ex / jnp.sum(ex, axis=1, keepdims=True), EPS, 1.0)
    ids = lax.broadcasted_iota(jnp.int32, (T, E), 1)
    p0 = jnp.max(probs, axis=1)
    i0 = jnp.argmax(probs, axis=1).astype(jnp.int32)
    masked = jnp.where(ids == i0[:, None], -1.0, probs)
    p1 = jnp.max(masked, axis=1)
    i1 = jnp.argmax(masked, axis=1).astype(jnp.int32)
    s = jnp.clip(p0 + p1, EPS, None)
    i0_ref[...] = i0
    i1_ref[...] = i1
    w0_ref[...] = p0 / s
    w1_ref[...] = p1 / s
    onehot = ((ids == i0[:, None]) | (ids == i1[:, None])).astype(jnp.float32)
    frac = jnp.mean(onehot, axis=0)
    mean_prob = jnp.mean(probs, axis=0)
    aux_ref[...] = jnp.reshape((E / K) * jnp.sum(frac * mean_prob), (1, 1))


def _router(xflat, ln_g, ln_b, rw):
    return _tc_call(
        _router_body,
        out_shape=[
            jax.ShapeDtypeStruct((T,), jnp.int32),
            jax.ShapeDtypeStruct((T,), jnp.int32),
            jax.ShapeDtypeStruct((T,), jnp.float32),
            jax.ShapeDtypeStruct((T,), jnp.float32),
            jax.ShapeDtypeStruct((1, 1), jnp.float32),
        ],
    )(xflat, ln_g, ln_b, rw)



def _ffn_body(es_ref, trow_ref, x_ref, gw_ref, uw_ref, dw_ref, wr_ref,
              out_ref, xg_s):
    j = pl.program_id(0)

    def gath(r, c):
        t = trow_ref[j * TILE + r]
        xg_s[pl.ds(r, 1), :] = x_ref[pl.ds(t, 1), :]
        return c

    lax.fori_loop(0, TILE, gath, 0)
    x = _clamp(xg_s[...])
    g = _silu(_clamp(lax.dot_general(x, gw_ref[0], (((1,), (1,)), ((), ())),
                                     preferred_element_type=jnp.float32)))
    u = _clamp(lax.dot_general(x, uw_ref[0], (((1,), (1,)), ((), ())),
                               preferred_element_type=jnp.float32))
    p = jnp.clip(g * u, -MAXH, MAXH)
    o = lax.dot_general(p, dw_ref[0], (((1,), (1,)), ((), ())),
                        preferred_element_type=jnp.float32)
    out_ref[...] = _clamp(o) * wr_ref[...]


def _ffn(xflat, gw, uw, dw, w_row, tile_expert, tok_row):
    return _tc_call(
        _ffn_body,
        grid_spec=pltpu.PrefetchScalarGridSpec(
            num_scalar_prefetch=2,
            grid=(NT,),
            in_specs=[
                pl.BlockSpec((T, H), lambda j, es, tr: (0, 0)),
                pl.BlockSpec((1, I, H), lambda j, es, tr: (es[j], 0, 0)),
                pl.BlockSpec((1, I, H), lambda j, es, tr: (es[j], 0, 0)),
                pl.BlockSpec((1, H, I), lambda j, es, tr: (es[j], 0, 0)),
                pl.BlockSpec((TILE, 1), lambda j, es, tr: (j, 0)),
            ],
            out_specs=pl.BlockSpec((TILE, H), lambda j, es, tr: (j, 0)),
            scratch_shapes=[pltpu.VMEM((TILE, H), jnp.float32)],
        ),
        compiler_params=pltpu.CompilerParams(
            vmem_limit_bytes=128 * 1024 * 1024),
        out_shape=jax.ShapeDtypeStruct((R_PAD, H), jnp.float32),
    )(tile_expert, tok_row, xflat, gw, uw, dw, w_row)



def _shared_body(x_ref, gw_ref, uw_ref, dw_ref, sg_ref, out_ref):
    x = _clamp(x_ref[...])
    g = _silu(_clamp(lax.dot_general(x, gw_ref[...], (((1,), (1,)), ((), ())),
                                     preferred_element_type=jnp.float32)))
    u = _clamp(lax.dot_general(x, uw_ref[...], (((1,), (1,)), ((), ())),
                               preferred_element_type=jnp.float32))
    p = jnp.clip(g * u, -MAXH, MAXH)
    o = _clamp(lax.dot_general(p, dw_ref[...], (((1,), (1,)), ((), ())),
                               preferred_element_type=jnp.float32))
    out_ref[...] = o * sg_ref[0]


def _shared(xflat, gw, uw, dw, sig):
    return _tc_call(
        _shared_body,
        grid=(T // ST,),
        in_specs=[
            pl.BlockSpec((ST, H), lambda t: (t, 0)),
            pl.BlockSpec((I, H), lambda t: (0, 0)),
            pl.BlockSpec((I, H), lambda t: (0, 0)),
            pl.BlockSpec((H, I), lambda t: (0, 0)),
            pl.BlockSpec(memory_space=pltpu.SMEM),
        ],
        out_specs=pl.BlockSpec((ST, H), lambda t: (t, 0)),
        out_shape=jax.ShapeDtypeStruct((T, H), jnp.float32),
    )(xflat, gw, uw, dw, sig)



def _sc_combine(eoutw, pos, shared):
    per_w = T // NW
    chunk = per_w // 2

    @functools.partial(
        pl.kernel,
        out_type=jax.ShapeDtypeStruct((T, H), jnp.float32),
        mesh=_sc_mesh(),
        scratch_types=[
            pltpu.VMEM((chunk,), jnp.int32),
            pltpu.VMEM((chunk,), jnp.int32),
            pltpu.VMEM((chunk, H), jnp.float32),
            pltpu.VMEM((chunk, H), jnp.float32),
            pltpu.VMEM((chunk, H), jnp.float32),
            pltpu.VMEM((chunk, H), jnp.float32),
            pltpu.SemaphoreType.DMA,
            pltpu.SemaphoreType.DMA,
            pltpu.SemaphoreType.DMA,
            pltpu.SemaphoreType.DMA,
        ],
    )
    def k(eoutw_hbm, pos_hbm, shared_hbm, out_hbm, ia_v, ib_v, a_v, b_v,
          s0_v, s1_v, sem_a, sem_b, sem_s, sem_w):
        wid = lax.axis_index("s") * 2 + lax.axis_index("c")
        wq = []
        for c in range(2):
            base = wid * per_w + c * chunk
            s_v = s0_v if c == 0 else s1_v
            pltpu.sync_copy(pos_hbm.at[0, pl.ds(base, chunk)], ia_v)
            ga = pltpu.async_copy(eoutw_hbm.at[ia_v], a_v, sem_a)
            pltpu.sync_copy(pos_hbm.at[1, pl.ds(base, chunk)], ib_v)
            gb = pltpu.async_copy(eoutw_hbm.at[ib_v], b_v, sem_b)
            gs = pltpu.async_copy(shared_hbm.at[pl.ds(base, chunk)], s_v,
                                  sem_s)
            ga.wait()
            gb.wait()
            gs.wait()

            def row_body(r, carry):
                def col_body(q, carry2):
                    for u in range(4):
                        sl = pl.ds((q * 4 + u) * 16, 16)
                        v = a_v[r, sl] + b_v[r, sl] + s_v[r, sl]
                        s_v[r, sl] = jnp.clip(v, -MAXH, MAXH)
                    return carry2
                return lax.fori_loop(0, H // 64, col_body, carry)

            lax.fori_loop(0, chunk, row_body, 0)
            wq.append(
                pltpu.async_copy(s_v, out_hbm.at[pl.ds(base, chunk)], sem_w))
        for w in wq:
            w.wait()

    return k(eoutw, pos, shared)



def kernel(hidden_states, ln_gamma, ln_beta, router_w, expert_gate_w,
           expert_up_w, expert_down_w, shared_gate_w, shared_up_w,
           shared_down_w, shared_gate_param):
    b, s, h = hidden_states.shape
    xflat = hidden_states.reshape(T, H)

    i0, i1, w0, w1, aux = _router(xflat, ln_gamma, ln_beta, router_w)

    ef = jnp.stack([i0, i1], axis=1).reshape(-1)
    wf = jnp.stack([w0, w1], axis=1).reshape(-1)
    onehot = (ef[:, None] == jnp.arange(E)[None, :]).astype(jnp.int32)
    rank = jnp.sum((jnp.cumsum(onehot, axis=0) - onehot) * onehot, axis=1)
    counts = jnp.sum(onehot, axis=0)
    padded = ((counts + TILE - 1) // TILE) * TILE
    pstart = jnp.concatenate([jnp.zeros(1, jnp.int32),
                              jnp.cumsum(padded)[:-1].astype(jnp.int32)])
    row_a = (pstart[ef] + rank).astype(jnp.int32)
    tok_row = jnp.zeros(R_PAD, jnp.int32).at[row_a].set(
        jnp.arange(A, dtype=jnp.int32) // K)
    w_row = jnp.zeros(R_PAD, jnp.float32).at[row_a].set(wf)
    pos2 = row_a.reshape(T, K).T
    tile_expert = jnp.minimum(
        jnp.searchsorted(jnp.cumsum(padded), jnp.arange(NT) * TILE,
                         side="right"),
        E - 1).astype(jnp.int32)

    eoutw = _ffn(xflat, expert_gate_w, expert_up_w, expert_down_w,
                 w_row.reshape(R_PAD, 1), tile_expert, tok_row)

    sig = jax.nn.sigmoid(shared_gate_param)
    shared_out = _shared(xflat, shared_gate_w, shared_up_w, shared_down_w, sig)

    final = _sc_combine(eoutw, pos2, shared_out)
    return final.reshape(b, s, h), aux.reshape(())

# --- scband reference (transcript-rebuilt; emitter-appended) ---
"""Pipeline reference for scband-mo-elayer-84954453115202 (READ-ONLY COPY).

The authoritative reference and input builder live on the scoring server;
editing this copy changes nothing except your own understanding.
"""

import jax, jax.numpy as jnp
import numpy as np

B, S, H, INTER, E, K = 1, 2048, 768, 3072, 8, 2
MAXH = 500.0
EPS = 1e-4

def safe_clamp(x, m=MAXH):
    x = jnp.nan_to_num(x, nan=0.0, posinf=m, neginf=-m)
    return jnp.clip(x, -m, m)

def setup_inputs(seed: int = 0):
    key = jax.random.key(seed)
    ks = jax.random.split(key, 10)
    return {
        "hidden_states": jax.random.normal(ks[0], (B, S, H), dtype=jnp.float32),
        "ln_gamma": jnp.ones((H,), jnp.float32),
        "ln_beta": jnp.zeros((H,), jnp.float32),
        "router_w": (jax.random.normal(ks[1], (E, H)) * 0.01).astype(jnp.float32),
        "expert_gate_w": (jax.random.normal(ks[2], (E, INTER, H)) * 0.02).astype(jnp.float32),
        "expert_up_w": (jax.random.normal(ks[3], (E, INTER, H)) * 0.02).astype(jnp.float32),
        "expert_down_w": (jax.random.normal(ks[4], (E, H, INTER)) * 0.01).astype(jnp.float32),
        "shared_gate_w": (jax.random.normal(ks[5], (INTER, H)) * 0.02).astype(jnp.float32),
        "shared_up_w": (jax.random.normal(ks[6], (INTER, H)) * 0.02).astype(jnp.float32),
        "shared_down_w": (jax.random.normal(ks[7], (H, INTER)) * 0.01).astype(jnp.float32),
        "shared_gate_param": jnp.array([0.5], jnp.float32),
    }

def reference(hidden_states, ln_gamma, ln_beta, router_w, expert_gate_w, expert_up_w, expert_down_w, shared_gate_w, shared_up_w, shared_down_w, shared_gate_param):
    b, s, h = hidden_states.shape
    x = safe_clamp(hidden_states).reshape(-1, h)
    # ---- router (eval mode: no noise) ----
    mu = x.mean(-1, keepdims=True)
    var = x.var(-1, keepdims=True)
    xn = (x - mu) / jnp.sqrt(var + 1e-5) * ln_gamma + ln_beta
    xn = safe_clamp(xn, 50.0)
    router_logits = jnp.clip(xn @ router_w.T, -10.0, 10.0)
    router_probs = jnp.clip(jax.nn.softmax(router_logits, axis=-1), EPS, 1.0)
    top_k_probs, top_k_indices = jax.lax.top_k(router_probs, K)
    top_k_probs = top_k_probs / jnp.clip(top_k_probs.sum(-1, keepdims=True), EPS, None)
    # combine weights per token/expert [T, E] (equivalent to masked accumulation loop)
    onehot = jax.nn.one_hot(top_k_indices, E, dtype=x.dtype)  # [T, K, E]
    comb = (top_k_probs[..., None] * onehot).sum(axis=1)      # [T, E]
    # ---- routed experts (dense all-expert eval, masked by comb weights) ----
    xc = safe_clamp(x)
    gate = safe_clamp(jnp.einsum('th,eih->eti', xc, expert_gate_w))
    gate = jax.nn.silu(gate)
    up = safe_clamp(jnp.einsum('th,eih->eti', xc, expert_up_w))
    prod = jnp.clip(gate * up, -MAXH, MAXH)
    eout = safe_clamp(jnp.einsum('eti,ehi->eth', prod, expert_down_w))
    eout = safe_clamp(eout)
    final = jnp.einsum('eth,te->th', eout, comb)
    # ---- shared expert ----
    sx = safe_clamp(x)
    sg = safe_clamp(sx @ shared_gate_w.T)
    sg = jax.nn.silu(sg)
    su = safe_clamp(sx @ shared_up_w.T)
    sp = jnp.clip(sg * su, -MAXH, MAXH)
    so = safe_clamp(sp @ shared_down_w.T)
    so = so * jax.nn.sigmoid(shared_gate_param)
    so = safe_clamp(so)
    final = jnp.clip(final + so, -MAXH, MAXH).reshape(b, s, h)
    # ---- aux load-balancing loss (switch-style) ----
    frac = onehot.sum(axis=1).mean(axis=0)       # fraction of routed assignments per expert, sums to K
    mean_prob = router_probs.mean(axis=0)         # mean router prob per expert
    aux_loss = (E / K) * jnp.sum(frac * mean_prob)
    return final, aux_loss

if __name__ == "__main__":
    import jax
    _d = setup_inputs()
    print(jax.jit(kernel)(*tuple(_d.values())))

</pallas_src>

<mosaic_0001>
#map = affine_map<(d0, d1) -> (0, 0)>
module attributes {stable_mosaic.version = 14 : i64} {
  func.func @k(%arg0: i32, %arg1: i32, %arg2: memref<5120x768xf32, #tpu.memory_space<hbm>>, %arg3: memref<2x2048xi32, #tpu.memory_space<hbm>>, %arg4: memref<2048x768xf32, #tpu.memory_space<hbm>>, %arg5: memref<2048x768xf32, #tpu.memory_space<hbm>>, %arg6: memref<32xi32, #tpu.memory_space<vmem>>, %arg7: memref<32xi32, #tpu.memory_space<vmem>>, %arg8: memref<32x768xf32, #tpu.memory_space<vmem>>, %arg9: memref<32x768xf32, #tpu.memory_space<vmem>>, %arg10: memref<32x768xf32, #tpu.memory_space<vmem>>, %arg11: memref<32x768xf32, #tpu.memory_space<vmem>>, %arg12: memref<!tpu.dma_semaphore, #tpu.memory_space<semaphore_mem>>, %arg13: memref<!tpu.dma_semaphore, #tpu.memory_space<semaphore_mem>>, %arg14: memref<!tpu.dma_semaphore, #tpu.memory_space<semaphore_mem>>, %arg15: memref<!tpu.dma_semaphore, #tpu.memory_space<semaphore_mem>>) attributes {dimension_semantics = [#tpu.dimension_semantics<core_parallel>, #tpu.dimension_semantics<subcore_parallel>], iteration_bounds = array<i64: 2, 16>, scalar_prefetch = 0 : i64, scratch_operands = 10 : i64, tpu.core_type = #tpu.core_type<sc_vector_subcore>, window_params = [{transform_indices = #map}, {transform_indices = #map}, {transform_indices = #map}, {transform_indices = #map}]} {
    %mul3A = arith.constant 2 : i32
    %mul3A_0 = arith.muli %arg1, %mul3A : i32
    %add3A = arith.addi %mul3A_0, %arg0 : i32
    %mul3A_1 = arith.constant 64 : i32
    %mul3A_2 = arith.muli %add3A, %mul3A_1 : i32
    %add3A_3 = arith.constant 0 : i32
    %add3A_4 = arith.addi %mul3A_2, %add3A_3 : i32
    %run_scoped3A = arith.constant 0 : i32
    "tpu.region"() ({
      %run_scoped3A_77 = tpu.sem_alloc : memref<!tpu.dma_semaphore, #tpu.memory_space<semaphore_mem>>
      %dma_start3A_78 = tpu.memref_slice %arg3[%run_scoped3A, %add3A_4] : memref<2x2048xi32, #tpu.memory_space<hbm>> -> memref<1x32xi32, #tpu.memory_space<hbm>>
      %dma_start3A_79 = tpu.memref_squeeze %dma_start3A_78 : memref<1x32xi32, #tpu.memory_space<hbm>> -> memref<32xi32, #tpu.memory_space<hbm>>
      %dma_start3A_80 = tpu.memref_slice %arg3[%run_scoped3A, %add3A_4] : memref<2x2048xi32, #tpu.memory_space<hbm>> -> memref<1x32xi32, #tpu.memory_space<hbm>>
      %dma_start3A_81 = tpu.memref_squeeze %dma_start3A_80 : memref<1x32xi32, #tpu.memory_space<hbm>> -> memref<32xi32, #tpu.memory_space<hbm>>
      tpu.enqueue_dma source(%dma_start3A_81 : memref<32xi32, #tpu.memory_space<hbm>>) target(%arg6 : memref<32xi32, #tpu.memory_space<vmem>>) target_semaphore(%run_scoped3A_77 : memref<!tpu.dma_semaphore, #tpu.memory_space<semaphore_mem>>)
      %dma_wait3A_82 = tpu.memref_slice %arg3[%run_scoped3A, %add3A_4] : memref<2x2048xi32, #tpu.memory_space<hbm>> -> memref<1x32xi32, #tpu.memory_space<hbm>>
      %dma_wait3A_83 = tpu.memref_squeeze %dma_wait3A_82 : memref<1x32xi32, #tpu.memory_space<hbm>> -> memref<32xi32, #tpu.memory_space<hbm>>
      %dma_wait3A_84 = tpu.memref_slice %arg3[%run_scoped3A, %add3A_4] : memref<2x2048xi32, #tpu.memory_space<hbm>> -> memref<1x32xi32, #tpu.memory_space<hbm>>
      %dma_wait3A_85 = tpu.memref_squeeze %dma_wait3A_84 : memref<1x32xi32, #tpu.memory_space<hbm>> -> memref<32xi32, #tpu.memory_space<hbm>>
      tpu.wait_dma2 semaphore(%run_scoped3A_77 : memref<!tpu.dma_semaphore, #tpu.memory_space<semaphore_mem>>) src(%dma_wait3A_85 : memref<32xi32, #tpu.memory_space<hbm>>) dst(%arg6 : memref<32xi32, #tpu.memory_space<vmem>>)
      tpu.yield
    }) : () -> ()
    %dma_start3A = arith.constant 0 : i32
    %dma_start3A_5 = arith.constant 0 : i32
    %dma_start3A_6 = tpu.memref_slice %arg2[%dma_start3A, %dma_start3A_5] : memref<5120x768xf32, #tpu.memory_space<hbm>> -> memref<5120x768xf32, #tpu.memory_space<hbm>>
    tpu.enqueue_indirect_dma source(%dma_start3A_6 : memref<5120x768xf32, #tpu.memory_space<hbm>>) target(%arg8 : memref<32x768xf32, #tpu.memory_space<vmem>>) offsets(%arg6 : memref<32xi32, #tpu.memory_space<vmem>>) semaphore(%arg12 : memref<!tpu.dma_semaphore, #tpu.memory_space<semaphore_mem>>)
    %run_scoped3A_7 = arith.constant 1 : i32
    "tpu.region"() ({
      %run_scoped3A_77 = tpu.sem_alloc : memref<!tpu.dma_semaphore, #tpu.memory_space<semaphore_mem>>
      %dma_start3A_78 = tpu.memref_slice %arg3[%run_scoped3A_7, %add3A_4] : memref<2x2048xi32, #tpu.memory_space<hbm>> -> memref<1x32xi32, #tpu.memory_space<hbm>>
      %dma_start3A_79 = tpu.memref_squeeze %dma_start3A_78 : memref<1x32xi32, #tpu.memory_space<hbm>> -> memref<32xi32, #tpu.memory_space<hbm>>
      %dma_start3A_80 = tpu.memref_slice %arg3[%run_scoped3A_7, %add3A_4] : memref<2x2048xi32, #tpu.memory_space<hbm>> -> memref<1x32xi32, #tpu.memory_space<hbm>>
      %dma_start3A_81 = tpu.memref_squeeze %dma_start3A_80 : memref<1x32xi32, #tpu.memory_space<hbm>> -> memref<32xi32, #tpu.memory_space<hbm>>
      tpu.enqueue_dma source(%dma_start3A_81 : memref<32xi32, #tpu.memory_space<hbm>>) target(%arg7 : memref<32xi32, #tpu.memory_space<vmem>>) target_semaphore(%run_scoped3A_77 : memref<!tpu.dma_semaphore, #tpu.memory_space<semaphore_mem>>)
      %dma_wait3A_82 = tpu.memref_slice %arg3[%run_scoped3A_7, %add3A_4] : memref<2x2048xi32, #tpu.memory_space<hbm>> -> memref<1x32xi32, #tpu.memory_space<hbm>>
      %dma_wait3A_83 = tpu.memref_squeeze %dma_wait3A_82 : memref<1x32xi32, #tpu.memory_space<hbm>> -> memref<32xi32, #tpu.memory_space<hbm>>
      %dma_wait3A_84 = tpu.memref_slice %arg3[%run_scoped3A_7, %add3A_4] : memref<2x2048xi32, #tpu.memory_space<hbm>> -> memref<1x32xi32, #tpu.memory_space<hbm>>
      %dma_wait3A_85 = tpu.memref_squeeze %dma_wait3A_84 : memref<1x32xi32, #tpu.memory_space<hbm>> -> memref<32xi32, #tpu.memory_space<hbm>>
      tpu.wait_dma2 semaphore(%run_scoped3A_77 : memref<!tpu.dma_semaphore, #tpu.memory_space<semaphore_mem>>) src(%dma_wait3A_85 : memref<32xi32, #tpu.memory_space<hbm>>) dst(%arg7 : memref<32xi32, #tpu.memory_space<vmem>>)
      tpu.yield
    }) : () -> ()
    %dma_start3A_8 = arith.constant 0 : i32
    %dma_start3A_9 = arith.constant 0 : i32
    %dma_start3A_10 = tpu.memref_slice %arg2[%dma_start3A_8, %dma_start3A_9] : memref<5120x768xf32, #tpu.memory_space<hbm>> -> memref<5120x768xf32, #tpu.memory_space<hbm>>
    tpu.enqueue_indirect_dma source(%dma_start3A_10 : memref<5120x768xf32, #tpu.memory_space<hbm>>) target(%arg9 : memref<32x768xf32, #tpu.memory_space<vmem>>) offsets(%arg7 : memref<32xi32, #tpu.memory_space<vmem>>) semaphore(%arg13 : memref<!tpu.dma_semaphore, #tpu.memory_space<semaphore_mem>>)
    %dma_start3A_11 = arith.constant 0 : i32
    %dma_start3A_12 = tpu.memref_slice %arg4[%add3A_4, %dma_start3A_11] : memref<2048x768xf32, #tpu.memory_space<hbm>> -> memref<32x768xf32, #tpu.memory_space<hbm>>
    %dma_start3A_13 = arith.constant 0 : i32
    %dma_start3A_14 = tpu.memref_slice %arg4[%add3A_4, %dma_start3A_13] : memref<2048x768xf32, #tpu.memory_space<hbm>> -> memref<32x768xf32, #tpu.memory_space<hbm>>
    tpu.enqueue_dma source(%dma_start3A_14 : memref<32x768xf32, #tpu.memory_space<hbm>>) target(%arg10 : memref<32x768xf32, #tpu.memory_space<vmem>>) target_semaphore(%arg14 : memref<!tpu.dma_semaphore, #tpu.memory_space<semaphore_mem>>)
    %dma_wait3A = arith.constant 0 : i32
    %dma_wait3A_15 = arith.constant 0 : i32
    %dma_wait3A_16 = tpu.memref_slice %arg2[%dma_wait3A, %dma_wait3A_15] : memref<5120x768xf32, #tpu.memory_space<hbm>> -> memref<5120x768xf32, #tpu.memory_space<hbm>>
    tpu.wait_indirect_dma semaphore(%arg12 : memref<!tpu.dma_semaphore, #tpu.memory_space<semaphore_mem>>) src(%dma_wait3A_16 : memref<5120x768xf32, #tpu.memory_space<hbm>>) dst(%arg8 : memref<32x768xf32, #tpu.memory_space<vmem>>)
    %dma_wait3A_17 = arith.constant 0 : i32
    %dma_wait3A_18 = arith.constant 0 : i32
    %dma_wait3A_19 = tpu.memref_slice %arg2[%dma_wait3A_17, %dma_wait3A_18] : memref<5120x768xf32, #tpu.memory_space<hbm>> -> memref<5120x768xf32, #tpu.memory_space<hbm>>
    tpu.wait_indirect_dma semaphore(%arg13 : memref<!tpu.dma_semaphore, #tpu.memory_space<semaphore_mem>>) src(%dma_wait3A_19 : memref<5120x768xf32, #tpu.memory_space<hbm>>) dst(%arg9 : memref<32x768xf32, #tpu.memory_space<vmem>>)
    %dma_wait3A_20 = arith.constant 0 : i32
    %dma_wait3A_21 = tpu.memref_slice %arg4[%add3A_4, %dma_wait3A_20] : memref<2048x768xf32, #tpu.memory_space<hbm>> -> memref<32x768xf32, #tpu.memory_space<hbm>>
    %dma_wait3A_22 = arith.constant 0 : i32
    %dma_wait3A_23 = tpu.memref_slice %arg4[%add3A_4, %dma_wait3A_22] : memref<2048x768xf32, #tpu.memory_space<hbm>> -> memref<32x768xf32, #tpu.memory_space<hbm>>
    tpu.wait_dma2 semaphore(%arg14 : memref<!tpu.dma_semaphore, #tpu.memory_space<semaphore_mem>>) src(%dma_wait3A_23 : memref<32x768xf32, #tpu.memory_space<hbm>>) dst(%arg10 : memref<32x768xf32, #tpu.memory_space<vmem>>)
    %scan3A = arith.constant 0 : i32
    %scan3A_24 = arith.constant 0 : i32
    %scan3A_25 = arith.constant 32 : i32
    %scan3A_26 = arith.addi %scan3A_24, %scan3A_25 : i32
    %scan3A_27 = arith.constant 1 : i32
    scf.for %scan3A_77 = %scan3A_24 to %scan3A_26 step %scan3A_27  : i32 {
      %scan3A_78 = arith.constant 0 : i32
      %scan3A_79 = arith.constant 12 : i32
      %scan3A_80 = arith.addi %scan3A_78, %scan3A_79 : i32
      %scan3A_81 = arith.constant 1 : i32
      scf.for %scan3A_83 = %scan3A_78 to %scan3A_80 step %scan3A_81  : i32 {
        %mul3A_84 = arith.constant 4 : i32
        %mul3A_85 = arith.muli %scan3A_83, %mul3A_84 : i32
        %add3A_86 = arith.constant 0 : i32
        %add3A_87 = arith.addi %mul3A_85, %add3A_86 : i32
        %mul3A_88 = arith.constant 16 : i32
        %mul3A_89 = arith.muli %add3A_87, %mul3A_88 : i32
        %get3A = arith.index_cast %scan3A_77 : i32 to index
        %get3A_90 = arith.index_cast %mul3A_89 : i32 to index
        %get3A_91 = tpu.vector_load %arg8[%get3A, %get3A_90] {strides = array<i32>} : memref<32x768xf32, #tpu.memory_space<vmem>>, vector<1x16xf32>,
        %get3A_92 = vector.shape_cast %get3A_91 : vector<1x16xf32> to vector<16xf32>
        %get3A_93 = arith.index_cast %scan3A_77 : i32 to index
        %get3A_94 = arith.index_cast %mul3A_89 : i32 to index
        %get3A_95 = tpu.vector_load %arg9[%get3A_93, %get3A_94] {strides = array<i32>} : memref<32x768xf32, #tpu.memory_space<vmem>>, vector<1x16xf32>,
        %get3A_96 = vector.shape_cast %get3A_95 : vector<1x16xf32> to vector<16xf32>
        %add3A_97 = arith.addf %get3A_92, %get3A_96 : vector<16xf32>
        %get3A_98 = arith.index_cast %scan3A_77 : i32 to index
        %get3A_99 = arith.index_cast %mul3A_89 : i32 to index
        %get3A_100 = tpu.vector_load %arg10[%get3A_98, %get3A_99] {strides = array<i32>} : memref<32x768xf32, #tpu.memory_space<vmem>>, vector<1x16xf32>,
        %get3A_101 = vector.shape_cast %get3A_100 : vector<1x16xf32> to vector<16xf32>
        %add3A_102 = arith.addf %add3A_97, %get3A_101 : vector<16xf32>
        %jit3A = arith.constant -5.000000e+02 : f32
        %jit3A_103 = arith.constant 5.000000e+02 : f32
        %max3A = vector.broadcast %jit3A : f32 to vector<16xf32>
        %max3A_104 = arith.maximumf %max3A, %add3A_102 : vector<16xf32>
        %min3A = vector.broadcast %jit3A_103 : f32 to vector<16xf32>
        %min3A_105 = arith.minimumf %min3A, %max3A_104 : vector<16xf32>
        %swap3A = arith.index_cast %scan3A_77 : i32 to index
        %swap3A_106 = arith.index_cast %mul3A_89 : i32 to index
        %swap3A_107 = tpu.vector_load %arg10[%swap3A, %swap3A_106] {strides = array<i32>} : memref<32x768xf32, #tpu.memory_space<vmem>>, vector<1x16xf32>,
        %swap3A_108 = vector.shape_cast %swap3A_107 : vector<1x16xf32> to vector<16xf32>
        %swap3A_109 = vector.shape_cast %min3A_105 : vector<16xf32> to vector<1x16xf32>
        tpu.vector_store %arg10[%swap3A, %swap3A_106], %swap3A_109 {strides = array<i32>} : memref<32x768xf32, #tpu.memory_space<vmem>>, vector<1x16xf32>,
        %mul3A_110 = arith.constant 4 : i32
        %mul3A_111 = arith.muli %scan3A_83, %mul3A_110 : i32
        %add3A_112 = arith.constant 1 : i32
        %add3A_113 = arith.addi %mul3A_111, %add3A_112 : i32
        %mul3A_114 = arith.constant 16 : i32
        %mul3A_115 = arith.muli %add3A_113, %mul3A_114 : i32
        %get3A_116 = arith.index_cast %scan3A_77 : i32 to index
        %get3A_117 = arith.index_cast %mul3A_115 : i32 to index
        %get3A_118 = tpu.vector_load %arg8[%get3A_116, %get3A_117] {strides = array<i32>} : memref<32x768xf32, #tpu.memory_space<vmem>>, vector<1x16xf32>,
        %get3A_119 = vector.shape_cast %get3A_118 : vector<1x16xf32> to vector<16xf32>
        %get3A_120 = arith.index_cast %scan3A_77 : i32 to index
        %get3A_121 = arith.index_cast %mul3A_115 : i32 to index
        %get3A_122 = tpu.vector_load %arg9[%get3A_120, %get3A_121] {strides = array<i32>} : memref<32x768xf32, #tpu.memory_space<vmem>>, vector<1x16xf32>,
        %get3A_123 = vector.shape_cast %get3A_122 : vector<1x16xf32> to vector<16xf32>
        %add3A_124 = arith.addf %get3A_119, %get3A_123 : vector<16xf32>
        %get3A_125 = arith.index_cast %scan3A_77 : i32 to index
        %get3A_126 = arith.index_cast %mul3A_115 : i32 to index
        %get3A_127 = tpu.vector_load %arg10[%get3A_125, %get3A_126] {strides = array<i32>} : memref<32x768xf32, #tpu.memory_space<vmem>>, vector<1x16xf32>,
        %get3A_128 = vector.shape_cast %get3A_127 : vector<1x16xf32> to vector<16xf32>
        %add3A_129 = arith.addf %add3A_124, %get3A_128 : vector<16xf32>
        %jit3A_130 = arith.constant -5.000000e+02 : f32
        %jit3A_131 = arith.constant 5.000000e+02 : f32
        %max3A_132 = vector.broadcast %jit3A_130 : f32 to vector<16xf32>
        %max3A_133 = arith.maximumf %max3A_132, %add3A_129 : vector<16xf32>
        %min3A_134 = vector.broadcast %jit3A_131 : f32 to vector<16xf32>
        %min3A_135 = arith.minimumf %min3A_134, %max3A_133 : vector<16xf32>
        %swap3A_136 = arith.index_cast %scan3A_77 : i32 to index
        %swap3A_137 = arith.index_cast %mul3A_115 : i32 to index
        %swap3A_138 = tpu.vector_load %arg10[%swap3A_136, %swap3A_137] {strides = array<i32>} : memref<32x768xf32, #tpu.memory_space<vmem>>, vector<1x16xf32>,
        %swap3A_139 = vector.shape_cast %swap3A_138 : vector<1x16xf32> to vector<16xf32>
        %swap3A_140 = vector.shape_cast %min3A_135 : vector<16xf32> to vector<1x16xf32>
        tpu.vector_store %arg10[%swap3A_136, %swap3A_137], %swap3A_140 {strides = array<i32>} : memref<32x768xf32, #tpu.memory_space<vmem>>, vector<1x16xf32>,
        %mul3A_141 = arith.constant 4 : i32
        %mul3A_142 = arith.muli %scan3A_83, %mul3A_141 : i32
        %add3A_143 = arith.constant 2 : i32
        %add3A_144 = arith.addi %mul3A_142, %add3A_143 : i32
        %mul3A_145 = arith.constant 16 : i32
        %mul3A_146 = arith.muli %add3A_144, %mul3A_145 : i32
        %get3A_147 = arith.index_cast %scan3A_77 : i32 to index
        %get3A_148 = arith.index_cast %mul3A_146 : i32 to index
        %get3A_149 = tpu.vector_load %arg8[%get3A_147, %get3A_148] {strides = array<i32>} : memref<32x768xf32, #tpu.memory_space<vmem>>, vector<1x16xf32>,
        %get3A_150 = vector.shape_cast %get3A_149 : vector<1x16xf32> to vector<16xf32>
        %get3A_151 = arith.index_cast %scan3A_77 : i32 to index
        %get3A_152 = arith.index_cast %mul3A_146 : i32 to index
        %get3A_153 = tpu.vector_load %arg9[%get3A_151, %get3A_152] {strides = array<i32>} : memref<32x768xf32, #tpu.memory_space<vmem>>, vector<1x16xf32>,
        %get3A_154 = vector.shape_cast %get3A_153 : vector<1x16xf32> to vector<16xf32>
        %add3A_155 = arith.addf %get3A_150, %get3A_154 : vector<16xf32>
        %get3A_156 = arith.index_cast %scan3A_77 : i32 to index
        %get3A_157 = arith.index_cast %mul3A_146 : i32 to index
        %get3A_158 = tpu.vector_load %arg10[%get3A_156, %get3A_157] {strides = array<i32>} : memref<32x768xf32, #tpu.memory_space<vmem>>, vector<1x16xf32>,
        %get3A_159 = vector.shape_cast %get3A_158 : vector<1x16xf32> to vector<16xf32>
        %add3A_160 = arith.addf %add3A_155, %get3A_159 : vector<16xf32>
        %jit3A_161 = arith.constant -5.000000e+02 : f32
        %jit3A_162 = arith.constant 5.000000e+02 : f32
        %max3A_163 = vector.broadcast %jit3A_161 : f32 to vector<16xf32>
        %max3A_164 = arith.maximumf %max3A_163, %add3A_160 : vector<16xf32>
        %min3A_165 = vector.broadcast %jit3A_162 : f32 to vector<16xf32>
        %min3A_166 = arith.minimumf %min3A_165, %max3A_164 : vector<16xf32>
        %swap3A_167 = arith.index_cast %scan3A_77 : i32 to index
        %swap3A_168 = arith.index_cast %mul3A_146 : i32 to index
        %swap3A_169 = tpu.vector_load %arg10[%swap3A_167, %swap3A_168] {strides = array<i32>} : memref<32x768xf32, #tpu.memory_space<vmem>>, vector<1x16xf32>,
        %swap3A_170 = vector.shape_cast %swap3A_169 : vector<1x16xf32> to vector<16xf32>
        %swap3A_171 = vector.shape_cast %min3A_166 : vector<16xf32> to vector<1x16xf32>
        tpu.vector_store %arg10[%swap3A_167, %swap3A_168], %swap3A_171 {strides = array<i32>} : memref<32x768xf32, #tpu.memory_space<vmem>>, vector<1x16xf32>,
        %mul3A_172 = arith.constant 4 : i32
        %mul3A_173 = arith.muli %scan3A_83, %mul3A_172 : i32
        %add3A_174 = arith.constant 3 : i32
        %add3A_175 = arith.addi %mul3A_173, %add3A_174 : i32
        %mul3A_176 = arith.constant 16 : i32
        %mul3A_177 = arith.muli %add3A_175, %mul3A_176 : i32
        %get3A_178 = arith.index_cast %scan3A_77 : i32 to index
        %get3A_179 = arith.index_cast %mul3A_177 : i32 to index
        %get3A_180 = tpu.vector_load %arg8[%get3A_178, %get3A_179] {strides = array<i32>} : memref<32x768xf32, #tpu.memory_space<vmem>>, vector<1x16xf32>,
        %get3A_181 = vector.shape_cast %get3A_180 : vector<1x16xf32> to vector<16xf32>
        %get3A_182 = arith.index_cast %scan3A_77 : i32 to index
        %get3A_183 = arith.index_cast %mul3A_177 : i32 to index
        %get3A_184 = tpu.vector_load %arg9[%get3A_182, %get3A_183] {strides = array<i32>} : memref<32x768xf32, #tpu.memory_space<vmem>>, vector<1x16xf32>,
        %get3A_185 = vector.shape_cast %get3A_184 : vector<1x16xf32> to vector<16xf32>
        %add3A_186 = arith.addf %get3A_181, %get3A_185 : vector<16xf32>
        %get3A_187 = arith.index_cast %scan3A_77 : i32 to index
        %get3A_188 = arith.index_cast %mul3A_177 : i32 to index
        %get3A_189 = tpu.vector_load %arg10[%get3A_187, %get3A_188] {strides = array<i32>} : memref<32x768xf32, #tpu.memory_space<vmem>>, vector<1x16xf32>,
        %get3A_190 = vector.shape_cast %get3A_189 : vector<1x16xf32> to vector<16xf32>
        %add3A_191 = arith.addf %add3A_186, %get3A_190 : vector<16xf32>
        %jit3A_192 = arith.constant -5.000000e+02 : f32
        %jit3A_193 = arith.constant 5.000000e+02 : f32
        %max3A_194 = vector.broadcast %jit3A_192 : f32 to vector<16xf32>
        %max3A_195 = arith.maximumf %max3A_194, %add3A_191 : vector<16xf32>
        %min3A_196 = vector.broadcast %jit3A_193 : f32 to vector<16xf32>
        %min3A_197 = arith.minimumf %min3A_196, %max3A_195 : vector<16xf32>
        %swap3A_198 = arith.index_cast %scan3A_77 : i32 to index
        %swap3A_199 = arith.index_cast %mul3A_177 : i32 to index
        %swap3A_200 = tpu.vector_load %arg10[%swap3A_198, %swap3A_199] {strides = array<i32>} : memref<32x768xf32, #tpu.memory_space<vmem>>, vector<1x16xf32>,
        %swap3A_201 = vector.shape_cast %swap3A_200 : vector<1x16xf32> to vector<16xf32>
        %swap3A_202 = vector.shape_cast %min3A_197 : vector<16xf32> to vector<1x16xf32>
        tpu.vector_store %arg10[%swap3A_198, %swap3A_199], %swap3A_202 {strides = array<i32>} : memref<32x768xf32, #tpu.memory_space<vmem>>, vector<1x16xf32>,
      }
      %scan3A_82 = arith.constant 12 : i32
    }
    %scan3A_28 = arith.constant 32 : i32
    %dma_start3A_29 = arith.constant 0 : i32
    %dma_start3A_30 = tpu.memref_slice %arg5[%add3A_4, %dma_start3A_29] : memref<2048x768xf32, #tpu.memory_space<hbm>> -> memref<32x768xf32, #tpu.memory_space<hbm>>
    %dma_start3A_31 = arith.constant 0 : i32
    %dma_start3A_32 = tpu.memref_slice %arg5[%add3A_4, %dma_start3A_31] : memref<2048x768xf32, #tpu.memory_space<hbm>> -> memref<32x768xf32, #tpu.memory_space<hbm>>
    tpu.enqueue_dma source(%arg10 : memref<32x768xf32, #tpu.memory_space<vmem>>) target(%dma_start3A_32 : memref<32x768xf32, #tpu.memory_space<hbm>>) target_semaphore(%arg15 : memref<!tpu.dma_semaphore, #tpu.memory_space<semaphore_mem>>)
    %mul3A_33 = arith.constant 64 : i32
    %mul3A_34 = arith.muli %add3A, %mul3A_33 : i32
    %add3A_35 = arith.constant 32 : i32
    %add3A_36 = arith.addi %mul3A_34, %add3A_35 : i32
    %run_scoped3A_37 = arith.constant 0 : i32
    "tpu.region"() ({
      %run_scoped3A_77 = tpu.sem_alloc : memref<!tpu.dma_semaphore, #tpu.memory_space<semaphore_mem>>
      %dma_start3A_78 = tpu.memref_slice %arg3[%run_scoped3A_37, %add3A_36] : memref<2x2048xi32, #tpu.memory_space<hbm>> -> memref<1x32xi32, #tpu.memory_space<hbm>>
      %dma_start3A_79 = tpu.memref_squeeze %dma_start3A_78 : memref<1x32xi32, #tpu.memory_space<hbm>> -> memref<32xi32, #tpu.memory_space<hbm>>
      %dma_start3A_80 = tpu.memref_slice %arg3[%run_scoped3A_37, %add3A_36] : memref<2x2048xi32, #tpu.memory_space<hbm>> -> memref<1x32xi32, #tpu.memory_space<hbm>>
      %dma_start3A_81 = tpu.memref_squeeze %dma_start3A_80 : memref<1x32xi32, #tpu.memory_space<hbm>> -> memref<32xi32, #tpu.memory_space<hbm>>
      tpu.enqueue_dma source(%dma_start3A_81 : memref<32xi32, #tpu.memory_space<hbm>>) target(%arg6 : memref<32xi32, #tpu.memory_space<vmem>>) target_semaphore(%run_scoped3A_77 : memref<!tpu.dma_semaphore, #tpu.memory_space<semaphore_mem>>)
      %dma_wait3A_82 = tpu.memref_slice %arg3[%run_scoped3A_37, %add3A_36] : memref<2x2048xi32, #tpu.memory_space<hbm>> -> memref<1x32xi32, #tpu.memory_space<hbm>>
      %dma_wait3A_83 = tpu.memref_squeeze %dma_wait3A_82 : memref<1x32xi32, #tpu.memory_space<hbm>> -> memref<32xi32, #tpu.memory_space<hbm>>
      %dma_wait3A_84 = tpu.memref_slice %arg3[%run_scoped3A_37, %add3A_36] : memref<2x2048xi32, #tpu.memory_space<hbm>> -> memref<1x32xi32, #tpu.memory_space<hbm>>
      %dma_wait3A_85 = tpu.memref_squeeze %dma_wait3A_84 : memref<1x32xi32, #tpu.memory_space<hbm>> -> memref<32xi32, #tpu.memory_space<hbm>>
      tpu.wait_dma2 semaphore(%run_scoped3A_77 : memref<!tpu.dma_semaphore, #tpu.memory_space<semaphore_mem>>) src(%dma_wait3A_85 : memref<32xi32, #tpu.memory_space<hbm>>) dst(%arg6 : memref<32xi32, #tpu.memory_space<vmem>>)
      tpu.yield
    }) : () -> ()
    %dma_start3A_38 = arith.constant 0 : i32
    %dma_start3A_39 = arith.constant 0 : i32
    %dma_start3A_40 = tpu.memref_slice %arg2[%dma_start3A_38, %dma_start3A_39] : memref<5120x768xf32, #tpu.memory_space<hbm>> -> memref<5120x768xf32, #tpu.memory_space<hbm>>
    tpu.enqueue_indirect_dma source(%dma_start3A_40 : memref<5120x768xf32, #tpu.memory_space<hbm>>) target(%arg8 : memref<32x768xf32, #tpu.memory_space<vmem>>) offsets(%arg6 : memref<32xi32, #tpu.memory_space<vmem>>) semaphore(%arg12 : memref<!tpu.dma_semaphore, #tpu.memory_space<semaphore_mem>>)
    %run_scoped3A_41 = arith.constant 1 : i32
    "tpu.region"() ({
      %run_scoped3A_77 = tpu.sem_alloc : memref<!tpu.dma_semaphore, #tpu.memory_space<semaphore_mem>>
      %dma_start3A_78 = tpu.memref_slice %arg3[%run_scoped3A_41, %add3A_36] : memref<2x2048xi32, #tpu.memory_space<hbm>> -> memref<1x32xi32, #tpu.memory_space<hbm>>
      %dma_start3A_79 = tpu.memref_squeeze %dma_start3A_78 : memref<1x32xi32, #tpu.memory_space<hbm>> -> memref<32xi32, #tpu.memory_space<hbm>>
      %dma_start3A_80 = tpu.memref_slice %arg3[%run_scoped3A_41, %add3A_36] : memref<2x2048xi32, #tpu.memory_space<hbm>> -> memref<1x32xi32, #tpu.memory_space<hbm>>
      %dma_start3A_81 = tpu.memref_squeeze %dma_start3A_80 : memref<1x32xi32, #tpu.memory_space<hbm>> -> memref<32xi32, #tpu.memory_space<hbm>>
      tpu.enqueue_dma source(%dma_start3A_81 : memref<32xi32, #tpu.memory_space<hbm>>) target(%arg7 : memref<32xi32, #tpu.memory_space<vmem>>) target_semaphore(%run_scoped3A_77 : memref<!tpu.dma_semaphore, #tpu.memory_space<semaphore_mem>>)
      %dma_wait3A_82 = tpu.memref_slice %arg3[%run_scoped3A_41, %add3A_36] : memref<2x2048xi32, #tpu.memory_space<hbm>> -> memref<1x32xi32, #tpu.memory_space<hbm>>
      %dma_wait3A_83 = tpu.memref_squeeze %dma_wait3A_82 : memref<1x32xi32, #tpu.memory_space<hbm>> -> memref<32xi32, #tpu.memory_space<hbm>>
      %dma_wait3A_84 = tpu.memref_slice %arg3[%run_scoped3A_41, %add3A_36] : memref<2x2048xi32, #tpu.memory_space<hbm>> -> memref<1x32xi32, #tpu.memory_space<hbm>>
      %dma_wait3A_85 = tpu.memref_squeeze %dma_wait3A_84 : memref<1x32xi32, #tpu.memory_space<hbm>> -> memref<32xi32, #tpu.memory_space<hbm>>
      tpu.wait_dma2 semaphore(%run_scoped3A_77 : memref<!tpu.dma_semaphore, #tpu.memory_space<semaphore_mem>>) src(%dma_wait3A_85 : memref<32xi32, #tpu.memory_space<hbm>>) dst(%arg7 : memref<32xi32, #tpu.memory_space<vmem>>)
      tpu.yield
    }) : () -> ()
    %dma_start3A_42 = arith.constant 0 : i32
    %dma_start3A_43 = arith.constant 0 : i32
    %dma_start3A_44 = tpu.memref_slice %arg2[%dma_start3A_42, %dma_start3A_43] : memref<5120x768xf32, #tpu.memory_space<hbm>> -> memref<5120x768xf32, #tpu.memory_space<hbm>>
    tpu.enqueue_indirect_dma source(%dma_start3A_44 : memref<5120x768xf32, #tpu.memory_space<hbm>>) target(%arg9 : memref<32x768xf32, #tpu.memory_space<vmem>>) offsets(%arg7 : memref<32xi32, #tpu.memory_space<vmem>>) semaphore(%arg13 : memref<!tpu.dma_semaphore, #tpu.memory_space<semaphore_mem>>)
    %dma_start3A_45 = arith.constant 0 : i32
    %dma_start3A_46 = tpu.memref_slice %arg4[%add3A_36, %dma_start3A_45] : memref<2048x768xf32, #tpu.memory_space<hbm>> -> memref<32x768xf32, #tpu.memory_space<hbm>>
    %dma_start3A_47 = arith.constant 0 : i32
    %dma_start3A_48 = tpu.memref_slice %arg4[%add3A_36, %dma_start3A_47] : memref<2048x768xf32, #tpu.memory_space<hbm>> -> memref<32x768xf32, #tpu.memory_space<hbm>>
    tpu.enqueue_dma source(%dma_start3A_48 : memref<32x768xf32, #tpu.memory_space<hbm>>) target(%arg11 : memref<32x768xf32, #tpu.memory_space<vmem>>) target_semaphore(%arg14 : memref<!tpu.dma_semaphore, #tpu.memory_space<semaphore_mem>>)
    %dma_wait3A_49 = arith.constant 0 : i32
    %dma_wait3A_50 = arith.constant 0 : i32
    %dma_wait3A_51 = tpu.memref_slice %arg2[%dma_wait3A_49, %dma_wait3A_50] : memref<5120x768xf32, #tpu.memory_space<hbm>> -> memref<5120x768xf32, #tpu.memory_space<hbm>>
    tpu.wait_indirect_dma semaphore(%arg12 : memref<!tpu.dma_semaphore, #tpu.memory_space<semaphore_mem>>) src(%dma_wait3A_51 : memref<5120x768xf32, #tpu.memory_space<hbm>>) dst(%arg8 : memref<32x768xf32, #tpu.memory_space<vmem>>)
    %dma_wait3A_52 = arith.constant 0 : i32
    %dma_wait3A_53 = arith.constant 0 : i32
    %dma_wait3A_54 = tpu.memref_slice %arg2[%dma_wait3A_52, %dma_wait3A_53] : memref<5120x768xf32, #tpu.memory_space<hbm>> -> memref<5120x768xf32, #tpu.memory_space<hbm>>
    tpu.wait_indirect_dma semaphore(%arg13 : memref<!tpu.dma_semaphore, #tpu.memory_space<semaphore_mem>>) src(%dma_wait3A_54 : memref<5120x768xf32, #tpu.memory_space<hbm>>) dst(%arg9 : memref<32x768xf32, #tpu.memory_space<vmem>>)
    %dma_wait3A_55 = arith.constant 0 : i32
    %dma_wait3A_56 = tpu.memref_slice %arg4[%add3A_36, %dma_wait3A_55] : memref<2048x768xf32, #tpu.memory_space<hbm>> -> memref<32x768xf32, #tpu.memory_space<hbm>>
    %dma_wait3A_57 = arith.constant 0 : i32
    %dma_wait3A_58 = tpu.memref_slice %arg4[%add3A_36, %dma_wait3A_57] : memref<2048x768xf32, #tpu.memory_space<hbm>> -> memref<32x768xf32, #tpu.memory_space<hbm>>
    tpu.wait_dma2 semaphore(%arg14 : memref<!tpu.dma_semaphore, #tpu.memory_space<semaphore_mem>>) src(%dma_wait3A_58 : memref<32x768xf32, #tpu.memory_space<hbm>>) dst(%arg11 : memref<32x768xf32, #tpu.memory_space<vmem>>)
    %scan3A_59 = arith.constant 0 : i32
    %scan3A_60 = arith.constant 0 : i32
    %scan3A_61 = arith.constant 32 : i32
    %scan3A_62 = arith.addi %scan3A_60, %scan3A_61 : i32
    %scan3A_63 = arith.constant 1 : i32
    scf.for %scan3A_77 = %scan3A_60 to %scan3A_62 step %scan3A_63  : i32 {
      %scan3A_78 = arith.constant 0 : i32
      %scan3A_79 = arith.constant 12 : i32
      %scan3A_80 = arith.addi %scan3A_78, %scan3A_79 : i32
      %scan3A_81 = arith.constant 1 : i32
      scf.for %scan3A_83 = %scan3A_78 to %scan3A_80 step %scan3A_81  : i32 {
        %mul3A_84 = arith.constant 4 : i32
        %mul3A_85 = arith.muli %scan3A_83, %mul3A_84 : i32
        %add3A_86 = arith.constant 0 : i32
        %add3A_87 = arith.addi %mul3A_85, %add3A_86 : i32
        %mul3A_88 = arith.constant 16 : i32
        %mul3A_89 = arith.muli %add3A_87, %mul3A_88 : i32
        %get3A = arith.index_cast %scan3A_77 : i32 to index
        %get3A_90 = arith.index_cast %mul3A_89 : i32 to index
        %get3A_91 = tpu.vector_load %arg8[%get3A, %get3A_90] {strides = array<i32>} : memref<32x768xf32, #tpu.memory_space<vmem>>, vector<1x16xf32>,
        %get3A_92 = vector.shape_cast %get3A_91 : vector<1x16xf32> to vector<16xf32>
        %get3A_93 = arith.index_cast %scan3A_77 : i32 to index
        %get3A_94 = arith.index_cast %mul3A_89 : i32 to index
        %get3A_95 = tpu.vector_load %arg9[%get3A_93, %get3A_94] {strides = array<i32>} : memref<32x768xf32, #tpu.memory_space<vmem>>, vector<1x16xf32>,
        %get3A_96 = vector.shape_cast %get3A_95 : vector<1x16xf32> to vector<16xf32>
        %add3A_97 = arith.addf %get3A_92, %get3A_96 : vector<16xf32>
        %get3A_98 = arith.index_cast %scan3A_77 : i32 to index
        %get3A_99 = arith.index_cast %mul3A_89 : i32 to index
        %get3A_100 = tpu.vector_load %arg11[%get3A_98, %get3A_99] {strides = array<i32>} : memref<32x768xf32, #tpu.memory_space<vmem>>, vector<1x16xf32>,
        %get3A_101 = vector.shape_cast %get3A_100 : vector<1x16xf32> to vector<16xf32>
        %add3A_102 = arith.addf %add3A_97, %get3A_101 : vector<16xf32>
        %jit3A = arith.constant -5.000000e+02 : f32
        %jit3A_103 = arith.constant 5.000000e+02 : f32
        %max3A = vector.broadcast %jit3A : f32 to vector<16xf32>
        %max3A_104 = arith.maximumf %max3A, %add3A_102 : vector<16xf32>
        %min3A = vector.broadcast %jit3A_103 : f32 to vector<16xf32>
        %min3A_105 = arith.minimumf %min3A, %max3A_104 : vector<16xf32>
        %swap3A = arith.index_cast %scan3A_77 : i32 to index
        %swap3A_106 = arith.index_cast %mul3A_89 : i32 to index
        %swap3A_107 = tpu.vector_load %arg11[%swap3A, %swap3A_106] {strides = array<i32>} : memref<32x768xf32, #tpu.memory_space<vmem>>, vector<1x16xf32>,
        %swap3A_108 = vector.shape_cast %swap3A_107 : vector<1x16xf32> to vector<16xf32>
        %swap3A_109 = vector.shape_cast %min3A_105 : vector<16xf32> to vector<1x16xf32>
        tpu.vector_store %arg11[%swap3A, %swap3A_106], %swap3A_109 {strides = array<i32>} : memref<32x768xf32, #tpu.memory_space<vmem>>, vector<1x16xf32>,
        %mul3A_110 = arith.constant 4 : i32
        %mul3A_111 = arith.muli %scan3A_83, %mul3A_110 : i32
        %add3A_112 = arith.constant 1 : i32
        %add3A_113 = arith.addi %mul3A_111, %add3A_112 : i32
        %mul3A_114 = arith.constant 16 : i32
        %mul3A_115 = arith.muli %add3A_113, %mul3A_114 : i32
        %get3A_116 = arith.index_cast %scan3A_77 : i32 to index
        %get3A_117 = arith.index_cast %mul3A_115 : i32 to index
        %get3A_118 = tpu.vector_load %arg8[%get3A_116, %get3A_117] {strides = array<i32>} : memref<32x768xf32, #tpu.memory_space<vmem>>, vector<1x16xf32>,
        %get3A_119 = vector.shape_cast %get3A_118 : vector<1x16xf32> to vector<16xf32>
        %get3A_120 = arith.index_cast %scan3A_77 : i32 to index
        %get3A_121 = arith.index_cast %mul3A_115 : i32 to index
        %get3A_122 = tpu.vector_load %arg9[%get3A_120, %get3A_121] {strides = array<i32>} : memref<32x768xf32, #tpu.memory_space<vmem>>, vector<1x16xf32>,
        %get3A_123 = vector.shape_cast %get3A_122 : vector<1x16xf32> to vector<16xf32>
        %add3A_124 = arith.addf %get3A_119, %get3A_123 : vector<16xf32>
        %get3A_125 = arith.index_cast %scan3A_77 : i32 to index
        %get3A_126 = arith.index_cast %mul3A_115 : i32 to index
        %get3A_127 = tpu.vector_load %arg11[%get3A_125, %get3A_126] {strides = array<i32>} : memref<32x768xf32, #tpu.memory_space<vmem>>, vector<1x16xf32>,
        %get3A_128 = vector.shape_cast %get3A_127 : vector<1x16xf32> to vector<16xf32>
        %add3A_129 = arith.addf %add3A_124, %get3A_128 : vector<16xf32>
        %jit3A_130 = arith.constant -5.000000e+02 : f32
        %jit3A_131 = arith.constant 5.000000e+02 : f32
        %max3A_132 = vector.broadcast %jit3A_130 : f32 to vector<16xf32>
        %max3A_133 = arith.maximumf %max3A_132, %add3A_129 : vector<16xf32>
        %min3A_134 = vector.broadcast %jit3A_131 : f32 to vector<16xf32>
        %min3A_135 = arith.minimumf %min3A_134, %max3A_133 : vector<16xf32>
        %swap3A_136 = arith.index_cast %scan3A_77 : i32 to index
        %swap3A_137 = arith.index_cast %mul3A_115 : i32 to index
        %swap3A_138 = tpu.vector_load %arg11[%swap3A_136, %swap3A_137] {strides = array<i32>} : memref<32x768xf32, #tpu.memory_space<vmem>>, vector<1x16xf32>,
        %swap3A_139 = vector.shape_cast %swap3A_138 : vector<1x16xf32> to vector<16xf32>
        %swap3A_140 = vector.shape_cast %min3A_135 : vector<16xf32> to vector<1x16xf32>
        tpu.vector_store %arg11[%swap3A_136, %swap3A_137], %swap3A_140 {strides = array<i32>} : memref<32x768xf32, #tpu.memory_space<vmem>>, vector<1x16xf32>,
        %mul3A_141 = arith.constant 4 : i32
        %mul3A_142 = arith.muli %scan3A_83, %mul3A_141 : i32
        %add3A_143 = arith.constant 2 : i32
        %add3A_144 = arith.addi %mul3A_142, %add3A_143 : i32
        %mul3A_145 = arith.constant 16 : i32
        %mul3A_146 = arith.muli %add3A_144, %mul3A_145 : i32
        %get3A_147 = arith.index_cast %scan3A_77 : i32 to index
        %get3A_148 = arith.index_cast %mul3A_146 : i32 to index
        %get3A_149 = tpu.vector_load %arg8[%get3A_147, %get3A_148] {strides = array<i32>} : memref<32x768xf32, #tpu.memory_space<vmem>>, vector<1x16xf32>,
        %get3A_150 = vector.shape_cast %get3A_149 : vector<1x16xf32> to vector<16xf32>
        %get3A_151 = arith.index_cast %scan3A_77 : i32 to index
        %get3A_152 = arith.index_cast %mul3A_146 : i32 to index
        %get3A_153 = tpu.vector_load %arg9[%get3A_151, %get3A_152] {strides = array<i32>} : memref<32x768xf32, #tpu.memory_space<vmem>>, vector<1x16xf32>,
        %get3A_154 = vector.shape_cast %get3A_153 : vector<1x16xf32> to vector<16xf32>
        %add3A_155 = arith.addf %get3A_150, %get3A_154 : vector<16xf32>
        %get3A_156 = arith.index_cast %scan3A_77 : i32 to index
        %get3A_157 = arith.index_cast %mul3A_146 : i32 to index
        %get3A_158 = tpu.vector_load %arg11[%get3A_156, %get3A_157] {strides = array<i32>} : memref<32x768xf32, #tpu.memory_space<vmem>>, vector<1x16xf32>,
        %get3A_159 = vector.shape_cast %get3A_158 : vector<1x16xf32> to vector<16xf32>
        %add3A_160 = arith.addf %add3A_155, %get3A_159 : vector<16xf32>
        %jit3A_161 = arith.constant -5.000000e+02 : f32
        %jit3A_162 = arith.constant 5.000000e+02 : f32
        %max3A_163 = vector.broadcast %jit3A_161 : f32 to vector<16xf32>
        %max3A_164 = arith.maximumf %max3A_163, %add3A_160 : vector<16xf32>
        %min3A_165 = vector.broadcast %jit3A_162 : f32 to vector<16xf32>
        %min3A_166 = arith.minimumf %min3A_165, %max3A_164 : vector<16xf32>
        %swap3A_167 = arith.index_cast %scan3A_77 : i32 to index
        %swap3A_168 = arith.index_cast %mul3A_146 : i32 to index
        %swap3A_169 = tpu.vector_load %arg11[%swap3A_167, %swap3A_168] {strides = array<i32>} : memref<32x768xf32, #tpu.memory_space<vmem>>, vector<1x16xf32>,
        %swap3A_170 = vector.shape_cast %swap3A_169 : vector<1x16xf32> to vector<16xf32>
        %swap3A_171 = vector.shape_cast %min3A_166 : vector<16xf32> to vector<1x16xf32>
        tpu.vector_store %arg11[%swap3A_167, %swap3A_168], %swap3A_171 {strides = array<i32>} : memref<32x768xf32, #tpu.memory_space<vmem>>, vector<1x16xf32>,
        %mul3A_172 = arith.constant 4 : i32
        %mul3A_173 = arith.muli %scan3A_83, %mul3A_172 : i32
        %add3A_174 = arith.constant 3 : i32
        %add3A_175 = arith.addi %mul3A_173, %add3A_174 : i32
        %mul3A_176 = arith.constant 16 : i32
        %mul3A_177 = arith.muli %add3A_175, %mul3A_176 : i32
        %get3A_178 = arith.index_cast %scan3A_77 : i32 to index
        %get3A_179 = arith.index_cast %mul3A_177 : i32 to index
        %get3A_180 = tpu.vector_load %arg8[%get3A_178, %get3A_179] {strides = array<i32>} : memref<32x768xf32, #tpu.memory_space<vmem>>, vector<1x16xf32>,
        %get3A_181 = vector.shape_cast %get3A_180 : vector<1x16xf32> to vector<16xf32>
        %get3A_182 = arith.index_cast %scan3A_77 : i32 to index
        %get3A_183 = arith.index_cast %mul3A_177 : i32 to index
        %get3A_184 = tpu.vector_load %arg9[%get3A_182, %get3A_183] {strides = array<i32>} : memref<32x768xf32, #tpu.memory_space<vmem>>, vector<1x16xf32>,
        %get3A_185 = vector.shape_cast %get3A_184 : vector<1x16xf32> to vector<16xf32>
        %add3A_186 = arith.addf %get3A_181, %get3A_185 : vector<16xf32>
        %get3A_187 = arith.index_cast %scan3A_77 : i32 to index
        %get3A_188 = arith.index_cast %mul3A_177 : i32 to index
        %get3A_189 = tpu.vector_load %arg11[%get3A_187, %get3A_188] {strides = array<i32>} : memref<32x768xf32, #tpu.memory_space<vmem>>, vector<1x16xf32>,
        %get3A_190 = vector.shape_cast %get3A_189 : vector<1x16xf32> to vector<16xf32>
        %add3A_191 = arith.addf %add3A_186, %get3A_190 : vector<16xf32>
        %jit3A_192 = arith.constant -5.000000e+02 : f32
        %jit3A_193 = arith.constant 5.000000e+02 : f32
        %max3A_194 = vector.broadcast %jit3A_192 : f32 to vector<16xf32>
        %max3A_195 = arith.maximumf %max3A_194, %add3A_191 : vector<16xf32>
        %min3A_196 = vector.broadcast %jit3A_193 : f32 to vector<16xf32>
        %min3A_197 = arith.minimumf %min3A_196, %max3A_195 : vector<16xf32>
        %swap3A_198 = arith.index_cast %scan3A_77 : i32 to index
        %swap3A_199 = arith.index_cast %mul3A_177 : i32 to index
        %swap3A_200 = tpu.vector_load %arg11[%swap3A_198, %swap3A_199] {strides = array<i32>} : memref<32x768xf32, #tpu.memory_space<vmem>>, vector<1x16xf32>,
        %swap3A_201 = vector.shape_cast %swap3A_200 : vector<1x16xf32> to vector<16xf32>
        %swap3A_202 = vector.shape_cast %min3A_197 : vector<16xf32> to vector<1x16xf32>
        tpu.vector_store %arg11[%swap3A_198, %swap3A_199], %swap3A_202 {strides = array<i32>} : memref<32x768xf32, #tpu.memory_space<vmem>>, vector<1x16xf32>,
      }
      %scan3A_82 = arith.constant 12 : i32
    }
    %scan3A_64 = arith.constant 32 : i32
    %dma_start3A_65 = arith.constant 0 : i32
    %dma_start3A_66 = tpu.memref_slice %arg5[%add3A_36, %dma_start3A_65] : memref<2048x768xf32, #tpu.memory_space<hbm>> -> memref<32x768xf32, #tpu.memory_space<hbm>>
    %dma_start3A_67 = arith.constant 0 : i32
    %dma_start3A_68 = tpu.memref_slice %arg5[%add3A_36, %dma_start3A_67] : memref<2048x768xf32, #tpu.memory_space<hbm>> -> memref<32x768xf32, #tpu.memory_space<hbm>>
    tpu.enqueue_dma source(%arg11 : memref<32x768xf32, #tpu.memory_space<vmem>>) target(%dma_start3A_68 : memref<32x768xf32, #tpu.memory_space<hbm>>) target_semaphore(%arg15 : memref<!tpu.dma_semaphore, #tpu.memory_space<semaphore_mem>>)
    %dma_wait3A_69 = arith.constant 0 : i32
    %dma_wait3A_70 = tpu.memref_slice %arg5[%add3A_4, %dma_wait3A_69] : memref<2048x768xf32, #tpu.memory_space<hbm>> -> memref<32x768xf32, #tpu.memory_space<hbm>>
    %dma_wait3A_71 = arith.constant 0 : i32
    %dma_wait3A_72 = tpu.memref_slice %arg5[%add3A_4, %dma_wait3A_71] : memref<2048x768xf32, #tpu.memory_space<hbm>> -> memref<32x768xf32, #tpu.memory_space<hbm>>
    tpu.wait_dma2 semaphore(%arg15 : memref<!tpu.dma_semaphore, #tpu.memory_space<semaphore_mem>>) src(%arg10 : memref<32x768xf32, #tpu.memory_space<vmem>>) dst(%dma_wait3A_72 : memref<32x768xf32, #tpu.memory_space<hbm>>)
    %dma_wait3A_73 = arith.constant 0 : i32
    %dma_wait3A_74 = tpu.memref_slice %arg5[%add3A_36, %dma_wait3A_73] : memref<2048x768xf32, #tpu.memory_space<hbm>> -> memref<32x768xf32, #tpu.memory_space<hbm>>
    %dma_wait3A_75 = arith.constant 0 : i32
    %dma_wait3A_76 = tpu.memref_slice %arg5[%add3A_36, %dma_wait3A_75] : memref<2048x768xf32, #tpu.memory_space<hbm>> -> memref<32x768xf32, #tpu.memory_space<hbm>>
    tpu.wait_dma2 semaphore(%arg15 : memref<!tpu.dma_semaphore, #tpu.memory_space<semaphore_mem>>) src(%arg11 : memref<32x768xf32, #tpu.memory_space<vmem>>) dst(%dma_wait3A_76 : memref<32x768xf32, #tpu.memory_space<hbm>>)
    return
  }
}

module attributes {stable_mosaic.version = 14 : i64} {
  func.func @_router_body(%arg0: memref<2048x768xf32, #tpu.memory_space<vmem>>, %arg1: memref<768xf32, #tpu.memory_space<vmem>>, %arg2: memref<768xf32, #tpu.memory_space<vmem>>, %arg3: memref<8x768xf32, #tpu.memory_space<vmem>>, %arg4: memref<2048xi32, #tpu.memory_space<vmem>>, %arg5: memref<2048xi32, #tpu.memory_space<vmem>>, %arg6: memref<2048xf32, #tpu.memory_space<vmem>>, %arg7: memref<2048xf32, #tpu.memory_space<vmem>>, %arg8: memref<1x1xf32, #tpu.memory_space<vmem>>) attributes {dimension_semantics = [], scalar_prefetch = 0 : i64, scratch_operands = 0 : i64, tpu.core_type = #tpu.core_type<tc>} {
    %get3A = arith.constant 0 : index
    %get3A_0 = arith.constant 0 : index
    %get3A_1 = vector.load %arg0[%get3A, %get3A_0] : memref<2048x768xf32, #tpu.memory_space<vmem>>, vector<2048x768xf32>
    %jit3A = arith.constant 0.000000e+00 : f32
    %jit3A_2 = arith.constant -5.000000e+02 : f32
    %jit3A_3 = arith.constant 5.000000e+02 : f32
    %ne3A = arith.cmpf one, %get3A_1, %get3A_1 : vector<2048x768xf32>
    %broadcast_in_dim3A = vector.broadcast %jit3A : f32 to vector<2048x768xf32>
    %select_n3A = arith.select %ne3A, %broadcast_in_dim3A, %get3A_1 : vector<2048x768xi1>, vector<2048x768xf32>
    %eq3A = arith.constant 0x7F800000 : f32
    %eq3A_4 = vector.broadcast %eq3A : f32 to vector<2048x768xf32>
    %eq3A_5 = arith.cmpf oeq, %select_n3A, %eq3A_4 : vector<2048x768xf32>
    %broadcast_in_dim3A_6 = vector.broadcast %jit3A_3 : f32 to vector<2048x768xf32>
    %select_n3A_7 = arith.select %eq3A_5, %broadcast_in_dim3A_6, %select_n3A : vector<2048x768xi1>, vector<2048x768xf32>
    %eq3A_8 = arith.constant 0xFF800000 : f32
    %eq3A_9 = vector.broadcast %eq3A_8 : f32 to vector<2048x768xf32>
    %eq3A_10 = arith.cmpf oeq, %select_n3A_7, %eq3A_9 : vector<2048x768xf32>
    %broadcast_in_dim3A_11 = vector.broadcast %jit3A_2 : f32 to vector<2048x768xf32>
    %select_n3A_12 = arith.select %eq3A_10, %broadcast_in_dim3A_11, %select_n3A_7 : vector<2048x768xi1>, vector<2048x768xf32>
    %jit3A_13 = arith.constant -5.000000e+02 : f32
    %jit3A_14 = arith.constant 5.000000e+02 : f32
    %max3A = vector.broadcast %jit3A_13 : f32 to vector<2048x768xf32>
    %max3A_15 = arith.maximumf %max3A, %select_n3A_12 : vector<2048x768xf32>
    %min3A = vector.broadcast %jit3A_14 : f32 to vector<2048x768xf32>
    %min3A_16 = arith.minimumf %min3A, %max3A_15 : vector<2048x768xf32>
    %reduce_sum3A = arith.constant dense<0.000000e+00> : vector<2048xf32>
    %reduce_sum3A_17 = vector.multi_reduction <add>, %min3A_16, %reduce_sum3A [1] : vector<2048x768xf32> to vector<2048xf32>
    %broadcast_in_dim3A_18 = vector.shape_cast %reduce_sum3A_17 : vector<2048xf32> to vector<2048x1xf32>
    %div3A = arith.constant 7.680000e+02 : f32
    %div3A_19 = vector.broadcast %div3A : f32 to vector<2048x1xf32>
    %div3A_20 = arith.divf %broadcast_in_dim3A_18, %div3A_19 : vector<2048x1xf32>
    %sub3A = vector.broadcast %div3A_20 : vector<2048x1xf32> to vector<2048x768xf32>
    %sub3A_21 = arith.subf %min3A_16, %sub3A : vector<2048x768xf32>
    %integer_pow3A = arith.mulf %sub3A_21, %sub3A_21 : vector<2048x768xf32>
    %reduce_sum3A_22 = arith.constant dense<0.000000e+00> : vector<2048xf32>
    %reduce_sum3A_23 = vector.multi_reduction <add>, %integer_pow3A, %reduce_sum3A_22 [1] : vector<2048x768xf32> to vector<2048xf32>
    %broadcast_in_dim3A_24 = vector.shape_cast %reduce_sum3A_23 : vector<2048xf32> to vector<2048x1xf32>
    %div3A_25 = arith.constant 7.680000e+02 : f32
    %div3A_26 = vector.broadcast %div3A_25 : f32 to vector<2048x1xf32>
    %div3A_27 = arith.divf %broadcast_in_dim3A_24, %div3A_26 : vector<2048x1xf32>
    %sub3A_28 = vector.broadcast %div3A_20 : vector<2048x1xf32> to vector<2048x768xf32>
    %sub3A_29 = arith.subf %min3A_16, %sub3A_28 : vector<2048x768xf32>
    %add3A = arith.constant 9.99999974E-6 : f32
    %add3A_30 = vector.broadcast %add3A : f32 to vector<2048x1xf32>
    %add3A_31 = arith.addf %div3A_27, %add3A_30 : vector<2048x1xf32>
    %rsqrt3A = math.rsqrt %add3A_31 : vector<2048x1xf32>
    %mul3A = vector.broadcast %rsqrt3A : vector<2048x1xf32> to vector<2048x768xf32>
    %mul3A_32 = arith.mulf %sub3A_29, %mul3A : vector<2048x768xf32>
    %get3A_33 = arith.constant 0 : index
    %get3A_34 = vector.load %arg1[%get3A_33] : memref<768xf32, #tpu.memory_space<vmem>>, vector<768xf32>
    %broadcast_in_dim3A_35 = vector.shape_cast %get3A_34 : vector<768xf32> to vector<1x768xf32>
    %mul3A_36 = vector.broadcast %broadcast_in_dim3A_35 : vector<1x768xf32> to vector<2048x768xf32>
    %mul3A_37 = arith.mulf %mul3A_32, %mul3A_36 : vector<2048x768xf32>
    %get3A_38 = arith.constant 0 : index
    %get3A_39 = vector.load %arg2[%get3A_38] : memref<768xf32, #tpu.memory_space<vmem>>, vector<768xf32>
    %broadcast_in_dim3A_40 = vector.shape_cast %get3A_39 : vector<768xf32> to vector<1x768xf32>
    %add3A_41 = vector.broadcast %broadcast_in_dim3A_40 : vector<1x768xf32> to vector<2048x768xf32>
    %add3A_42 = arith.addf %mul3A_37, %add3A_41 : vector<2048x768xf32>
    %jit3A_43 = arith.constant 0.000000e+00 : f32
    %jit3A_44 = arith.constant -5.000000e+01 : f32
    %jit3A_45 = arith.constant 5.000000e+01 : f32
    %ne3A_46 = arith.cmpf one, %add3A_42, %add3A_42 : vector<2048x768xf32>
    %broadcast_in_dim3A_47 = vector.broadcast %jit3A_43 : f32 to vector<2048x768xf32>
    %select_n3A_48 = arith.select %ne3A_46, %broadcast_in_dim3A_47, %add3A_42 : vector<2048x768xi1>, vector<2048x768xf32>
    %eq3A_49 = arith.constant 0x7F800000 : f32
    %eq3A_50 = vector.broadcast %eq3A_49 : f32 to vector<2048x768xf32>
    %eq3A_51 = arith.cmpf oeq, %select_n3A_48, %eq3A_50 : vector<2048x768xf32>
    %broadcast_in_dim3A_52 = vector.broadcast %jit3A_45 : f32 to vector<2048x768xf32>
    %select_n3A_53 = arith.select %eq3A_51, %broadcast_in_dim3A_52, %select_n3A_48 : vector<2048x768xi1>, vector<2048x768xf32>
    %eq3A_54 = arith.constant 0xFF800000 : f32
    %eq3A_55 = vector.broadcast %eq3A_54 : f32 to vector<2048x768xf32>
    %eq3A_56 = arith.cmpf oeq, %select_n3A_53, %eq3A_55 : vector<2048x768xf32>
    %broadcast_in_dim3A_57 = vector.broadcast %jit3A_44 : f32 to vector<2048x768xf32>
    %select_n3A_58 = arith.select %eq3A_56, %broadcast_in_dim3A_57, %select_n3A_53 : vector<2048x768xi1>, vector<2048x768xf32>
    %jit3A_59 = arith.constant -5.000000e+01 : f32
    %jit3A_60 = arith.constant 5.000000e+01 : f32
    %max3A_61 = vector.broadcast %jit3A_59 : f32 to vector<2048x768xf32>
    %max3A_62 = arith.maximumf %max3A_61, %select_n3A_58 : vector<2048x768xf32>
    %min3A_63 = vector.broadcast %jit3A_60 : f32 to vector<2048x768xf32>
    %min3A_64 = arith.minimumf %min3A_63, %max3A_62 : vector<2048x768xf32>
    %get3A_65 = arith.constant 0 : index
    %get3A_66 = arith.constant 0 : index
    %get3A_67 = vector.load %arg3[%get3A_65, %get3A_66] : memref<8x768xf32, #tpu.memory_space<vmem>>, vector<8x768xf32>
    %dot_general3A = arith.constant dense<0.000000e+00> : vector<2048x8xf32>
    %dot_general3A_68 = tpu.matmul %min3A_64, %get3A_67, %dot_general3A {dimension_numbers = #tpu.dot_dimension_numbers<[1], [1], [0], [0], [0, 0, 1, 0], [], []>, transpose_lhs_hint = false} : vector<2048x768xf32>, vector<8x768xf32>, vector<2048x8xf32> -> vector<2048x8xf32>
    %jit3A_69 = arith.constant -1.000000e+01 : f32
    %jit3A_70 = arith.constant 1.000000e+01 : f32
    %max3A_71 = vector.broadcast %jit3A_69 : f32 to vector<2048x8xf32>
    %max3A_72 = arith.maximumf %max3A_71, %dot_general3A_68 : vector<2048x8xf32>
    %min3A_73 = vector.broadcast %jit3A_70 : f32 to vector<2048x8xf32>
    %min3A_74 = arith.minimumf %min3A_73, %max3A_72 : vector<2048x8xf32>
    %reduce_max3A = arith.constant dense<0xFF800000> : vector<2048xf32>
    %reduce_max3A_75 = vector.multi_reduction <maximumf>, %min3A_74, %reduce_max3A [1] : vector<2048x8xf32> to vector<2048xf32>
    %broadcast_in_dim3A_76 = vector.shape_cast %reduce_max3A_75 : vector<2048xf32> to vector<2048x1xf32>
    %sub3A_77 = vector.broadcast %broadcast_in_dim3A_76 : vector<2048x1xf32> to vector<2048x8xf32>
    %sub3A_78 = arith.subf %min3A_74, %sub3A_77 : vector<2048x8xf32>
    %exp3A = math.exp %sub3A_78 : vector<2048x8xf32>
    %reduce_sum3A_79 = arith.constant dense<0.000000e+00> : vector<2048xf32>
    %reduce_sum3A_80 = vector.multi_reduction <add>, %exp3A, %reduce_sum3A_79 [1] : vector<2048x8xf32> to vector<2048xf32>
    %broadcast_in_dim3A_81 = vector.shape_cast %reduce_sum3A_80 : vector<2048xf32> to vector<2048x1xf32>
    %div3A_82 = vector.broadcast %broadcast_in_dim3A_81 : vector<2048x1xf32> to vector<2048x8xf32>
    %div3A_83 = arith.divf %exp3A, %div3A_82 : vector<2048x8xf32>
    %jit3A_84 = arith.constant 9.99999974E-5 : f32
    %jit3A_85 = arith.constant 1.000000e+00 : f32
    %max3A_86 = vector.broadcast %jit3A_84 : f32 to vector<2048x8xf32>
    %max3A_87 = arith.maximumf %max3A_86, %div3A_83 : vector<2048x8xf32>
    %min3A_88 = vector.broadcast %jit3A_85 : f32 to vector<2048x8xf32>
    %min3A_89 = arith.minimumf %min3A_88, %max3A_87 : vector<2048x8xf32>
    %iota3A = tpu.iota {dimensions = array<i32: 1>} : vector<2048x8xi32>
    %reduce_max3A_90 = arith.constant dense<0xFF800000> : vector<2048xf32>
    %reduce_max3A_91 = vector.multi_reduction <maximumf>, %min3A_89, %reduce_max3A_90 [1] : vector<2048x8xf32> to vector<2048xf32>
    %argmax3A = tpu.reduce_index %min3A_89 {axis = 1 : i32, kind = #tpu.reduction_kind<arg_max>} : vector<2048x8xf32> -> vector<2048xi32>
    %broadcast_in_dim3A_92 = vector.shape_cast %argmax3A : vector<2048xi32> to vector<2048x1xi32>
    %eq3A_93 = vector.broadcast %broadcast_in_dim3A_92 : vector<2048x1xi32> to vector<2048x8xi32>
    %eq3A_94 = arith.cmpi eq, %iota3A, %eq3A_93 : vector<2048x8xi32>
    %jit3A_95 = arith.constant -1.000000e+00 : f32
    %broadcast_in_dim3A_96 = vector.broadcast %jit3A_95 : f32 to vector<2048x8xf32>
    %select_n3A_97 = arith.select %eq3A_94, %broadcast_in_dim3A_96, %min3A_89 : vector<2048x8xi1>, vector<2048x8xf32>
    %reduce_max3A_98 = arith.constant dense<0xFF800000> : vector<2048xf32>
    %reduce_max3A_99 = vector.multi_reduction <maximumf>, %select_n3A_97, %reduce_max3A_98 [1] : vector<2048x8xf32> to vector<2048xf32>
    %argmax3A_100 = tpu.reduce_index %select_n3A_97 {axis = 1 : i32, kind = #tpu.reduction_kind<arg_max>} : vector<2048x8xf32> -> vector<2048xi32>
    %add3A_101 = arith.addf %reduce_max3A_91, %reduce_max3A_99 : vector<2048xf32>
    %jit3A_102 = arith.constant 9.99999974E-5 : f32
    %max3A_103 = vector.broadcast %jit3A_102 : f32 to vector<2048xf32>
    %max3A_104 = arith.maximumf %max3A_103, %add3A_101 : vector<2048xf32>
    %swap3A = arith.constant 0 : index
    %swap3A_105 = vector.load %arg4[%swap3A] : memref<2048xi32, #tpu.memory_space<vmem>>, vector<2048xi32>
    tpu.vector_store %arg4[%swap3A], %argmax3A {strides = array<i32>} : memref<2048xi32, #tpu.memory_space<vmem>>, vector<2048xi32>,
    %swap3A_106 = arith.constant 0 : index
    %swap3A_107 = vector.load %arg5[%swap3A_106] : memref<2048xi32, #tpu.memory_space<vmem>>, vector<2048xi32>
    tpu.vector_store %arg5[%swap3A_106], %argmax3A_100 {strides = array<i32>} : memref<2048xi32, #tpu.memory_space<vmem>>, vector<2048xi32>,
    %div3A_108 = arith.divf %reduce_max3A_91, %max3A_104 : vector<2048xf32>
    %swap3A_109 = arith.constant 0 : index
    %swap3A_110 = vector.load %arg6[%swap3A_109] : memref<2048xf32, #tpu.memory_space<vmem>>, vector<2048xf32>
    tpu.vector_store %arg6[%swap3A_109], %div3A_108 {strides = array<i32>} : memref<2048xf32, #tpu.memory_space<vmem>>, vector<2048xf32>,
    %div3A_111 = arith.divf %reduce_max3A_99, %max3A_104 : vector<2048xf32>
    %swap3A_112 = arith.constant 0 : index
    %swap3A_113 = vector.load %arg7[%swap3A_112] : memref<2048xf32, #tpu.memory_space<vmem>>, vector<2048xf32>
    tpu.vector_store %arg7[%swap3A_112], %div3A_111 {strides = array<i32>} : memref<2048xf32, #tpu.memory_space<vmem>>, vector<2048xf32>,
    %broadcast_in_dim3A_114 = vector.shape_cast %argmax3A : vector<2048xi32> to vector<2048x1xi32>
    %eq3A_115 = vector.broadcast %broadcast_in_dim3A_114 : vector<2048x1xi32> to vector<2048x8xi32>
    %eq3A_116 = arith.cmpi eq, %iota3A, %eq3A_115 : vector<2048x8xi32>
    %broadcast_in_dim3A_117 = vector.shape_cast %argmax3A_100 : vector<2048xi32> to vector<2048x1xi32>
    %eq3A_118 = vector.broadcast %broadcast_in_dim3A_117 : vector<2048x1xi32> to vector<2048x8xi32>
    %eq3A_119 = arith.cmpi eq, %iota3A, %eq3A_118 : vector<2048x8xi32>
    %or3A = arith.ori %eq3A_116, %eq3A_119 : vector<2048x8xi1>
    %convert_element_type3A = arith.extui %or3A : vector<2048x8xi1> to vector<2048x8xi32>
    %convert_element_type3A_120 = arith.sitofp %convert_element_type3A : vector<2048x8xi32> to vector<2048x8xf32>
    %reduce_sum3A_121 = arith.constant dense<0.000000e+00> : vector<8xf32>
    %reduce_sum3A_122 = vector.multi_reduction <add>, %convert_element_type3A_120, %reduce_sum3A_121 [0] : vector<2048x8xf32> to vector<8xf32>
    %div3A_123 = arith.constant 2.048000e+03 : f32
    %div3A_124 = vector.broadcast %div3A_123 : f32 to vector<8xf32>
    %div3A_125 = arith.divf %reduce_sum3A_122, %div3A_124 : vector<8xf32>
    %reduce_sum3A_126 = arith.constant dense<0.000000e+00> : vector<8xf32>
    %reduce_sum3A_127 = vector.multi_reduction <add>, %min3A_89, %reduce_sum3A_126 [0] : vector<2048x8xf32> to vector<8xf32>
    %div3A_128 = arith.constant 2.048000e+03 : f32
    %div3A_129 = vector.broadcast %div3A_128 : f32 to vector<8xf32>
    %div3A_130 = arith.divf %reduce_sum3A_127, %div3A_129 : vector<8xf32>
    %mul3A_131 = arith.mulf %div3A_125, %div3A_130 : vector<8xf32>
    %reduce_sum3A_132 = vector.shape_cast %mul3A_131 : vector<8xf32> to vector<1x8xf32>
    %reduce_sum3A_133 = arith.constant dense<0.000000e+00> : vector<1xf32>
    %reduce_sum3A_134 = vector.multi_reduction <add>, %reduce_sum3A_132, %reduce_sum3A_133 [1] : vector<1x8xf32> to vector<1xf32>
    %reduce_sum3A_135 = vector.shape_cast %reduce_sum3A_134 : vector<1xf32> to vector<1x1xf32>
    %reduce_sum3A_136 = vector.extract %reduce_sum3A_135[0, 0] : f32 from vector<1x1xf32>
    %mul3A_137 = arith.constant 4.000000e+00 : f32
    %mul3A_138 = arith.mulf %mul3A_137, %reduce_sum3A_136 : f32
    %reshape3A = vector.broadcast %mul3A_138 : f32 to vector<1x1xf32>
    %swap3A_139 = arith.constant 0 : index
    %swap3A_140 = arith.constant 0 : index
    %swap3A_141 = vector.load %arg8[%swap3A_139, %swap3A_140] : memref<1x1xf32, #tpu.memory_space<vmem>>, vector<1x1xf32>
    tpu.vector_store %arg8[%swap3A_139, %swap3A_140], %reshape3A {strides = array<i32>} : memref<1x1xf32, #tpu.memory_space<vmem>>, vector<1x1xf32>,
    return
  }
}

module attributes {stable_mosaic.version = 14 : i64} {
  func.func @_shared_body(%arg0: i32, %arg1: memref<256x768xf32, #tpu.memory_space<vmem>>, %arg2: memref<3072x768xf32, #tpu.memory_space<vmem>>, %arg3: memref<3072x768xf32, #tpu.memory_space<vmem>>, %arg4: memref<768x3072xf32, #tpu.memory_space<vmem>>, %arg5: memref<1xf32, #tpu.memory_space<smem>>, %arg6: memref<256x768xf32, #tpu.memory_space<vmem>>) attributes {dimension_semantics = [#tpu.dimension_semantics<arbitrary>], iteration_bounds = array<i64: 8>, scalar_prefetch = 0 : i64, scratch_operands = 0 : i64, tpu.core_type = #tpu.core_type<tc>, window_params = [{transform_indices = @transform_0, window_bounds = array<i64: 256, 768>}, {pipeline_mode = #tpu.pipeline_mode<synchronous>, transform_indices = @transform_1, window_bounds = array<i64: 3072, 768>}, {pipeline_mode = #tpu.pipeline_mode<synchronous>, transform_indices = @transform_2, window_bounds = array<i64: 3072, 768>}, {pipeline_mode = #tpu.pipeline_mode<synchronous>, transform_indices = @transform_3, window_bounds = array<i64: 768, 3072>}, {transform_indices = @transform_4, window_bounds = array<i64: 1>}, {transform_indices = @transform_5, window_bounds = array<i64: 256, 768>}]} {
    %get3A = arith.constant 0 : index
    %get3A_0 = arith.constant 0 : index
    %get3A_1 = vector.load %arg1[%get3A, %get3A_0] : memref<256x768xf32, #tpu.memory_space<vmem>>, vector<256x768xf32>
    %jit3A = arith.constant 0.000000e+00 : f32
    %jit3A_2 = arith.constant -5.000000e+02 : f32
    %jit3A_3 = arith.constant 5.000000e+02 : f32
    %ne3A = arith.cmpf one, %get3A_1, %get3A_1 : vector<256x768xf32>
    %broadcast_in_dim3A = vector.broadcast %jit3A : f32 to vector<256x768xf32>
    %select_n3A = arith.select %ne3A, %broadcast_in_dim3A, %get3A_1 : vector<256x768xi1>, vector<256x768xf32>
    %eq3A = arith.constant 0x7F800000 : f32
    %eq3A_4 = vector.broadcast %eq3A : f32 to vector<256x768xf32>
    %eq3A_5 = arith.cmpf oeq, %select_n3A, %eq3A_4 : vector<256x768xf32>
    %broadcast_in_dim3A_6 = vector.broadcast %jit3A_3 : f32 to vector<256x768xf32>
    %select_n3A_7 = arith.select %eq3A_5, %broadcast_in_dim3A_6, %select_n3A : vector<256x768xi1>, vector<256x768xf32>
    %eq3A_8 = arith.constant 0xFF800000 : f32
    %eq3A_9 = vector.broadcast %eq3A_8 : f32 to vector<256x768xf32>
    %eq3A_10 = arith.cmpf oeq, %select_n3A_7, %eq3A_9 : vector<256x768xf32>
    %broadcast_in_dim3A_11 = vector.broadcast %jit3A_2 : f32 to vector<256x768xf32>
    %select_n3A_12 = arith.select %eq3A_10, %broadcast_in_dim3A_11, %select_n3A_7 : vector<256x768xi1>, vector<256x768xf32>
    %jit3A_13 = arith.constant -5.000000e+02 : f32
    %jit3A_14 = arith.constant 5.000000e+02 : f32
    %max3A = vector.broadcast %jit3A_13 : f32 to vector<256x768xf32>
    %max3A_15 = arith.maximumf %max3A, %select_n3A_12 : vector<256x768xf32>
    %min3A = vector.broadcast %jit3A_14 : f32 to vector<256x768xf32>
    %min3A_16 = arith.minimumf %min3A, %max3A_15 : vector<256x768xf32>
    %get3A_17 = arith.constant 0 : index
    %get3A_18 = arith.constant 0 : index
    %get3A_19 = vector.load %arg2[%get3A_17, %get3A_18] : memref<3072x768xf32, #tpu.memory_space<vmem>>, vector<3072x768xf32>
    %dot_general3A = arith.constant dense<0.000000e+00> : vector<256x3072xf32>
    %dot_general3A_20 = tpu.matmul %min3A_16, %get3A_19, %dot_general3A {dimension_numbers = #tpu.dot_dimension_numbers<[1], [1], [0], [0], [0, 0, 1, 0], [], []>, transpose_lhs_hint = false} : vector<256x768xf32>, vector<3072x768xf32>, vector<256x3072xf32> -> vector<256x3072xf32>
    %jit3A_21 = arith.constant 0.000000e+00 : f32
    %jit3A_22 = arith.constant -5.000000e+02 : f32
    %jit3A_23 = arith.constant 5.000000e+02 : f32
    %ne3A_24 = arith.cmpf one, %dot_general3A_20, %dot_general3A_20 : vector<256x3072xf32>
    %broadcast_in_dim3A_25 = vector.broadcast %jit3A_21 : f32 to vector<256x3072xf32>
    %select_n3A_26 = arith.select %ne3A_24, %broadcast_in_dim3A_25, %dot_general3A_20 : vector<256x3072xi1>, vector<256x3072xf32>
    %eq3A_27 = arith.constant 0x7F800000 : f32
    %eq3A_28 = vector.broadcast %eq3A_27 : f32 to vector<256x3072xf32>
    %eq3A_29 = arith.cmpf oeq, %select_n3A_26, %eq3A_28 : vector<256x3072xf32>
    %broadcast_in_dim3A_30 = vector.broadcast %jit3A_23 : f32 to vector<256x3072xf32>
    %select_n3A_31 = arith.select %eq3A_29, %broadcast_in_dim3A_30, %select_n3A_26 : vector<256x3072xi1>, vector<256x3072xf32>
    %eq3A_32 = arith.constant 0xFF800000 : f32
    %eq3A_33 = vector.broadcast %eq3A_32 : f32 to vector<256x3072xf32>
    %eq3A_34 = arith.cmpf oeq, %select_n3A_31, %eq3A_33 : vector<256x3072xf32>
    %broadcast_in_dim3A_35 = vector.broadcast %jit3A_22 : f32 to vector<256x3072xf32>
    %select_n3A_36 = arith.select %eq3A_34, %broadcast_in_dim3A_35, %select_n3A_31 : vector<256x3072xi1>, vector<256x3072xf32>
    %jit3A_37 = arith.constant -5.000000e+02 : f32
    %jit3A_38 = arith.constant 5.000000e+02 : f32
    %max3A_39 = vector.broadcast %jit3A_37 : f32 to vector<256x3072xf32>
    %max3A_40 = arith.maximumf %max3A_39, %select_n3A_36 : vector<256x3072xf32>
    %min3A_41 = vector.broadcast %jit3A_38 : f32 to vector<256x3072xf32>
    %min3A_42 = arith.minimumf %min3A_41, %max3A_40 : vector<256x3072xf32>
    %neg3A = arith.constant 0.000000e+00 : f32
    %neg3A_43 = vector.broadcast %neg3A : f32 to vector<256x3072xf32>
    %neg3A_44 = arith.subf %neg3A_43, %min3A_42 : vector<256x3072xf32>
    %exp3A = math.exp %neg3A_44 : vector<256x3072xf32>
    %add3A = arith.constant 1.000000e+00 : f32
    %add3A_45 = vector.broadcast %add3A : f32 to vector<256x3072xf32>
    %add3A_46 = arith.addf %add3A_45, %exp3A : vector<256x3072xf32>
    %div3A = arith.constant 1.000000e+00 : f32
    %div3A_47 = vector.broadcast %div3A : f32 to vector<256x3072xf32>
    %div3A_48 = arith.divf %div3A_47, %add3A_46 : vector<256x3072xf32>
    %mul3A = arith.mulf %min3A_42, %div3A_48 : vector<256x3072xf32>
    %get3A_49 = arith.constant 0 : index
    %get3A_50 = arith.constant 0 : index
    %get3A_51 = vector.load %arg3[%get3A_49, %get3A_50] : memref<3072x768xf32, #tpu.memory_space<vmem>>, vector<3072x768xf32>
    %dot_general3A_52 = arith.constant dense<0.000000e+00> : vector<256x3072xf32>
    %dot_general3A_53 = tpu.matmul %min3A_16, %get3A_51, %dot_general3A_52 {dimension_numbers = #tpu.dot_dimension_numbers<[1], [1], [0], [0], [0, 0, 1, 0], [], []>, transpose_lhs_hint = false} : vector<256x768xf32>, vector<3072x768xf32>, vector<256x3072xf32> -> vector<256x3072xf32>
    %jit3A_54 = arith.constant 0.000000e+00 : f32
    %jit3A_55 = arith.constant -5.000000e+02 : f32
    %jit3A_56 = arith.constant 5.000000e+02 : f32
    %ne3A_57 = arith.cmpf one, %dot_general3A_53, %dot_general3A_53 : vector<256x3072xf32>
    %broadcast_in_dim3A_58 = vector.broadcast %jit3A_54 : f32 to vector<256x3072xf32>
    %select_n3A_59 = arith.select %ne3A_57, %broadcast_in_dim3A_58, %dot_general3A_53 : vector<256x3072xi1>, vector<256x3072xf32>
    %eq3A_60 = arith.constant 0x7F800000 : f32
    %eq3A_61 = vector.broadcast %eq3A_60 : f32 to vector<256x3072xf32>
    %eq3A_62 = arith.cmpf oeq, %select_n3A_59, %eq3A_61 : vector<256x3072xf32>
    %broadcast_in_dim3A_63 = vector.broadcast %jit3A_56 : f32 to vector<256x3072xf32>
    %select_n3A_64 = arith.select %eq3A_62, %broadcast_in_dim3A_63, %select_n3A_59 : vector<256x3072xi1>, vector<256x3072xf32>
    %eq3A_65 = arith.constant 0xFF800000 : f32
    %eq3A_66 = vector.broadcast %eq3A_65 : f32 to vector<256x3072xf32>
    %eq3A_67 = arith.cmpf oeq, %select_n3A_64, %eq3A_66 : vector<256x3072xf32>
    %broadcast_in_dim3A_68 = vector.broadcast %jit3A_55 : f32 to vector<256x3072xf32>
    %select_n3A_69 = arith.select %eq3A_67, %broadcast_in_dim3A_68, %select_n3A_64 : vector<256x3072xi1>, vector<256x3072xf32>
    %jit3A_70 = arith.constant -5.000000e+02 : f32
    %jit3A_71 = arith.constant 5.000000e+02 : f32
    %max3A_72 = vector.broadcast %jit3A_70 : f32 to vector<256x3072xf32>
    %max3A_73 = arith.maximumf %max3A_72, %select_n3A_69 : vector<256x3072xf32>
    %min3A_74 = vector.broadcast %jit3A_71 : f32 to vector<256x3072xf32>
    %min3A_75 = arith.minimumf %min3A_74, %max3A_73 : vector<256x3072xf32>
    %mul3A_76 = arith.mulf %mul3A, %min3A_75 : vector<256x3072xf32>
    %jit3A_77 = arith.constant -5.000000e+02 : f32
    %jit3A_78 = arith.constant 5.000000e+02 : f32
    %max3A_79 = vector.broadcast %jit3A_77 : f32 to vector<256x3072xf32>
    %max3A_80 = arith.maximumf %max3A_79, %mul3A_76 : vector<256x3072xf32>
    %min3A_81 = vector.broadcast %jit3A_78 : f32 to vector<256x3072xf32>
    %min3A_82 = arith.minimumf %min3A_81, %max3A_80 : vector<256x3072xf32>
    %get3A_83 = arith.constant 0 : index
    %get3A_84 = arith.constant 0 : index
    %get3A_85 = vector.load %arg4[%get3A_83, %get3A_84] : memref<768x3072xf32, #tpu.memory_space<vmem>>, vector<768x3072xf32>
    %dot_general3A_86 = arith.constant dense<0.000000e+00> : vector<256x768xf32>
    %dot_general3A_87 = tpu.matmul %min3A_82, %get3A_85, %dot_general3A_86 {dimension_numbers = #tpu.dot_dimension_numbers<[1], [1], [0], [0], [0, 0, 1, 0], [], []>, transpose_lhs_hint = false} : vector<256x3072xf32>, vector<768x3072xf32>, vector<256x768xf32> -> vector<256x768xf32>
    %jit3A_88 = arith.constant 0.000000e+00 : f32
    %jit3A_89 = arith.constant -5.000000e+02 : f32
    %jit3A_90 = arith.constant 5.000000e+02 : f32
    %ne3A_91 = arith.cmpf one, %dot_general3A_87, %dot_general3A_87 : vector<256x768xf32>
    %broadcast_in_dim3A_92 = vector.broadcast %jit3A_88 : f32 to vector<256x768xf32>
    %select_n3A_93 = arith.select %ne3A_91, %broadcast_in_dim3A_92, %dot_general3A_87 : vector<256x768xi1>, vector<256x768xf32>
    %eq3A_94 = arith.constant 0x7F800000 : f32
    %eq3A_95 = vector.broadcast %eq3A_94 : f32 to vector<256x768xf32>
    %eq3A_96 = arith.cmpf oeq, %select_n3A_93, %eq3A_95 : vector<256x768xf32>
    %broadcast_in_dim3A_97 = vector.broadcast %jit3A_90 : f32 to vector<256x768xf32>
    %select_n3A_98 = arith.select %eq3A_96, %broadcast_in_dim3A_97, %select_n3A_93 : vector<256x768xi1>, vector<256x768xf32>
    %eq3A_99 = arith.constant 0xFF800000 : f32
    %eq3A_100 = vector.broadcast %eq3A_99 : f32 to vector<256x768xf32>
    %eq3A_101 = arith.cmpf oeq, %select_n3A_98, %eq3A_100 : vector<256x768xf32>
    %broadcast_in_dim3A_102 = vector.broadcast %jit3A_89 : f32 to vector<256x768xf32>
    %select_n3A_103 = arith.select %eq3A_101, %broadcast_in_dim3A_102, %select_n3A_98 : vector<256x768xi1>, vector<256x768xf32>
    %jit3A_104 = arith.constant -5.000000e+02 : f32
    %jit3A_105 = arith.constant 5.000000e+02 : f32
    %max3A_106 = vector.broadcast %jit3A_104 : f32 to vector<256x768xf32>
    %max3A_107 = arith.maximumf %max3A_106, %select_n3A_103 : vector<256x768xf32>
    %min3A_108 = vector.broadcast %jit3A_105 : f32 to vector<256x768xf32>
    %min3A_109 = arith.minimumf %min3A_108, %max3A_107 : vector<256x768xf32>
    %get3A_110 = arith.constant 0 : index
    %get3A_111 = memref.load %arg5[%get3A_110] : memref<1xf32, #tpu.memory_space<smem>>
    %mul3A_112 = vector.broadcast %get3A_111 : f32 to vector<256x768xf32>
    %mul3A_113 = arith.mulf %min3A_109, %mul3A_112 : vector<256x768xf32>
    %swap3A = arith.constant 0 : index
    %swap3A_114 = arith.constant 0 : index
    %swap3A_115 = vector.load %arg6[%swap3A, %swap3A_114] : memref<256x768xf32, #tpu.memory_space<vmem>>, vector<256x768xf32>
    tpu.vector_store %arg6[%swap3A, %swap3A_114], %mul3A_113 {strides = array<i32>} : memref<256x768xf32, #tpu.memory_space<vmem>>, vector<256x768xf32>,
    return
  }
  func.func @transform_0(%arg0: i32) -> (i32, i32) {
    %c0_i32 = arith.constant 0 : i32
    %c0_i32_0 = arith.constant 0 : i32
    return %arg0, %c0_i32 : i32, i32
  }
  func.func @transform_1(%arg0: i32) -> (i32, i32) {
    %c0_i32 = arith.constant 0 : i32
    %c0_i32_0 = arith.constant 0 : i32
    %c0_i32_1 = arith.constant 0 : i32
    return %c0_i32, %c0_i32_0 : i32, i32
  }
  func.func @transform_2(%arg0: i32) -> (i32, i32) {
    %c0_i32 = arith.constant 0 : i32
    %c0_i32_0 = arith.constant 0 : i32
    %c0_i32_1 = arith.constant 0 : i32
    return %c0_i32, %c0_i32_0 : i32, i32
  }
  func.func @transform_3(%arg0: i32) -> (i32, i32) {
    %c0_i32 = arith.constant 0 : i32
    %c0_i32_0 = arith.constant 0 : i32
    %c0_i32_1 = arith.constant 0 : i32
    return %c0_i32, %c0_i32_0 : i32, i32
  }
  func.func @transform_4(%arg0: i32) -> i32 {
    %c0_i32 = arith.constant 0 : i32
    %c0_i32_0 = arith.constant 0 : i32
    return %c0_i32 : i32
  }
  func.func @transform_5(%arg0: i32) -> (i32, i32) {
    %c0_i32 = arith.constant 0 : i32
    %c0_i32_0 = arith.constant 0 : i32
    return %arg0, %c0_i32 : i32, i32
  }
}

module attributes {stable_mosaic.version = 14 : i64} {
  func.func @_ffn_body(%arg0: i32, %arg1: memref<40xi32, #tpu.memory_space<smem>>, %arg2: memref<5120xi32, #tpu.memory_space<smem>>, %arg3: memref<2048x768xf32, #tpu.memory_space<vmem>>, %arg4: memref<1x3072x768xf32, #tpu.memory_space<vmem>>, %arg5: memref<1x3072x768xf32, #tpu.memory_space<vmem>>, %arg6: memref<1x768x3072xf32, #tpu.memory_space<vmem>>, %arg7: memref<128x1xf32, #tpu.memory_space<vmem>>, %arg8: memref<128x768xf32, #tpu.memory_space<vmem>>, %arg9: memref<128x768xf32, #tpu.memory_space<vmem>>) attributes {dimension_semantics = [#tpu.dimension_semantics<arbitrary>], iteration_bounds = array<i64: 40>, scalar_prefetch = 2 : i64, scratch_operands = 1 : i64, tpu.core_type = #tpu.core_type<tc>, window_params = [{pipeline_mode = #tpu.pipeline_mode<synchronous>, transform_indices = @transform_0, window_bounds = array<i64: 2048, 768>}, {transform_indices = @transform_1, window_bounds = array<i64: 1, 3072, 768>}, {transform_indices = @transform_2, window_bounds = array<i64: 1, 3072, 768>}, {transform_indices = @transform_3, window_bounds = array<i64: 1, 768, 3072>}, {transform_indices = @transform_4, window_bounds = array<i64: 128, 1>}, {transform_indices = @transform_5, window_bounds = array<i64: 128, 768>}]} {
    %scan3A = arith.constant 0 : i32
    %scan3A_0 = arith.constant 128 : i32
    %scan3A_1 = arith.addi %scan3A, %scan3A_0 : i32
    %scan3A_2 = arith.constant 1 : i32
    scf.for %scan3A_127 = %scan3A to %scan3A_1 step %scan3A_2  : i32 {
      %mul3A_128 = arith.constant 128 : i32
      %mul3A_129 = arith.muli %arg0, %mul3A_128 : i32
      %add3A_130 = arith.addi %mul3A_129, %scan3A_127 : i32
      %get3A_131 = arith.index_cast %add3A_130 : i32 to index
      %get3A_132 = memref.load %arg2[%get3A_131] : memref<5120xi32, #tpu.memory_space<smem>>
      %get3A_133 = arith.index_cast %get3A_132 : i32 to index
      %get3A_134 = arith.constant 0 : index
      %get3A_135 = vector.load %arg3[%get3A_133, %get3A_134] : memref<2048x768xf32, #tpu.memory_space<vmem>>, vector<1x768xf32>
      %swap3A_136 = arith.index_cast %scan3A_127 : i32 to index
      %swap3A_137 = arith.constant 0 : index
      %swap3A_138 = vector.load %arg9[%swap3A_136, %swap3A_137] : memref<128x768xf32, #tpu.memory_space<vmem>>, vector<1x768xf32>
      tpu.vector_store %arg9[%swap3A_136, %swap3A_137], %get3A_135 {strides = array<i32>} : memref<128x768xf32, #tpu.memory_space<vmem>>, vector<1x768xf32>,
    }
    %scan3A_3 = arith.constant 128 : i32
    %get3A = arith.constant 0 : index
    %get3A_4 = arith.constant 0 : index
    %get3A_5 = vector.load %arg9[%get3A, %get3A_4] : memref<128x768xf32, #tpu.memory_space<vmem>>, vector<128x768xf32>
    %jit3A = arith.constant 0.000000e+00 : f32
    %jit3A_6 = arith.constant -5.000000e+02 : f32
    %jit3A_7 = arith.constant 5.000000e+02 : f32
    %ne3A = arith.cmpf one, %get3A_5, %get3A_5 : vector<128x768xf32>
    %broadcast_in_dim3A = vector.broadcast %jit3A : f32 to vector<128x768xf32>
    %select_n3A = arith.select %ne3A, %broadcast_in_dim3A, %get3A_5 : vector<128x768xi1>, vector<128x768xf32>
    %eq3A = arith.constant 0x7F800000 : f32
    %eq3A_8 = vector.broadcast %eq3A : f32 to vector<128x768xf32>
    %eq3A_9 = arith.cmpf oeq, %select_n3A, %eq3A_8 : vector<128x768xf32>
    %broadcast_in_dim3A_10 = vector.broadcast %jit3A_7 : f32 to vector<128x768xf32>
    %select_n3A_11 = arith.select %eq3A_9, %broadcast_in_dim3A_10, %select_n3A : vector<128x768xi1>, vector<128x768xf32>
    %eq3A_12 = arith.constant 0xFF800000 : f32
    %eq3A_13 = vector.broadcast %eq3A_12 : f32 to vector<128x768xf32>
    %eq3A_14 = arith.cmpf oeq, %select_n3A_11, %eq3A_13 : vector<128x768xf32>
    %broadcast_in_dim3A_15 = vector.broadcast %jit3A_6 : f32 to vector<128x768xf32>
    %select_n3A_16 = arith.select %eq3A_14, %broadcast_in_dim3A_15, %select_n3A_11 : vector<128x768xi1>, vector<128x768xf32>
    %jit3A_17 = arith.constant -5.000000e+02 : f32
    %jit3A_18 = arith.constant 5.000000e+02 : f32
    %max3A = vector.broadcast %jit3A_17 : f32 to vector<128x768xf32>
    %max3A_19 = arith.maximumf %max3A, %select_n3A_16 : vector<128x768xf32>
    %min3A = vector.broadcast %jit3A_18 : f32 to vector<128x768xf32>
    %min3A_20 = arith.minimumf %min3A, %max3A_19 : vector<128x768xf32>
    %get3A_21 = arith.constant 0 : index
    %get3A_22 = arith.constant 0 : index
    %get3A_23 = arith.constant 0 : index
    %get3A_24 = vector.load %arg4[%get3A_21, %get3A_22, %get3A_23] : memref<1x3072x768xf32, #tpu.memory_space<vmem>>, vector<1x3072x768xf32>
    %get3A_25 = vector.shape_cast %get3A_24 : vector<1x3072x768xf32> to vector<3072x768xf32>
    %dot_general3A = arith.constant dense<0.000000e+00> : vector<128x3072xf32>
    %dot_general3A_26 = tpu.matmul %min3A_20, %get3A_25, %dot_general3A {dimension_numbers = #tpu.dot_dimension_numbers<[1], [1], [0], [0], [0, 0, 1, 0], [], []>, transpose_lhs_hint = false} : vector<128x768xf32>, vector<3072x768xf32>, vector<128x3072xf32> -> vector<128x3072xf32>
    %jit3A_27 = arith.constant 0.000000e+00 : f32
    %jit3A_28 = arith.constant -5.000000e+02 : f32
    %jit3A_29 = arith.constant 5.000000e+02 : f32
    %ne3A_30 = arith.cmpf one, %dot_general3A_26, %dot_general3A_26 : vector<128x3072xf32>
    %broadcast_in_dim3A_31 = vector.broadcast %jit3A_27 : f32 to vector<128x3072xf32>
    %select_n3A_32 = arith.select %ne3A_30, %broadcast_in_dim3A_31, %dot_general3A_26 : vector<128x3072xi1>, vector<128x3072xf32>
    %eq3A_33 = arith.constant 0x7F800000 : f32
    %eq3A_34 = vector.broadcast %eq3A_33 : f32 to vector<128x3072xf32>
    %eq3A_35 = arith.cmpf oeq, %select_n3A_32, %eq3A_34 : vector<128x3072xf32>
    %broadcast_in_dim3A_36 = vector.broadcast %jit3A_29 : f32 to vector<128x3072xf32>
    %select_n3A_37 = arith.select %eq3A_35, %broadcast_in_dim3A_36, %select_n3A_32 : vector<128x3072xi1>, vector<128x3072xf32>
    %eq3A_38 = arith.constant 0xFF800000 : f32
    %eq3A_39 = vector.broadcast %eq3A_38 : f32 to vector<128x3072xf32>
    %eq3A_40 = arith.cmpf oeq, %select_n3A_37, %eq3A_39 : vector<128x3072xf32>
    %broadcast_in_dim3A_41 = vector.broadcast %jit3A_28 : f32 to vector<128x3072xf32>
    %select_n3A_42 = arith.select %eq3A_40, %broadcast_in_dim3A_41, %select_n3A_37 : vector<128x3072xi1>, vector<128x3072xf32>
    %jit3A_43 = arith.constant -5.000000e+02 : f32
    %jit3A_44 = arith.constant 5.000000e+02 : f32
    %max3A_45 = vector.broadcast %jit3A_43 : f32 to vector<128x3072xf32>
    %max3A_46 = arith.maximumf %max3A_45, %select_n3A_42 : vector<128x3072xf32>
    %min3A_47 = vector.broadcast %jit3A_44 : f32 to vector<128x3072xf32>
    %min3A_48 = arith.minimumf %min3A_47, %max3A_46 : vector<128x3072xf32>
    %neg3A = arith.constant 0.000000e+00 : f32
    %neg3A_49 = vector.broadcast %neg3A : f32 to vector<128x3072xf32>
    %neg3A_50 = arith.subf %neg3A_49, %min3A_48 : vector<128x3072xf32>
    %exp3A = math.exp %neg3A_50 : vector<128x3072xf32>
    %add3A = arith.constant 1.000000e+00 : f32
    %add3A_51 = vector.broadcast %add3A : f32 to vector<128x3072xf32>
    %add3A_52 = arith.addf %add3A_51, %exp3A : vector<128x3072xf32>
    %div3A = arith.constant 1.000000e+00 : f32
    %div3A_53 = vector.broadcast %div3A : f32 to vector<128x3072xf32>
    %div3A_54 = arith.divf %div3A_53, %add3A_52 : vector<128x3072xf32>
    %mul3A = arith.mulf %min3A_48, %div3A_54 : vector<128x3072xf32>
    %get3A_55 = arith.constant 0 : index
    %get3A_56 = arith.constant 0 : index
    %get3A_57 = arith.constant 0 : index
    %get3A_58 = vector.load %arg5[%get3A_55, %get3A_56, %get3A_57] : memref<1x3072x768xf32, #tpu.memory_space<vmem>>, vector<1x3072x768xf32>
    %get3A_59 = vector.shape_cast %get3A_58 : vector<1x3072x768xf32> to vector<3072x768xf32>
    %dot_general3A_60 = arith.constant dense<0.000000e+00> : vector<128x3072xf32>
    %dot_general3A_61 = tpu.matmul %min3A_20, %get3A_59, %dot_general3A_60 {dimension_numbers = #tpu.dot_dimension_numbers<[1], [1], [0], [0], [0, 0, 1, 0], [], []>, transpose_lhs_hint = false} : vector<128x768xf32>, vector<3072x768xf32>, vector<128x3072xf32> -> vector<128x3072xf32>
    %jit3A_62 = arith.constant 0.000000e+00 : f32
    %jit3A_63 = arith.constant -5.000000e+02 : f32
    %jit3A_64 = arith.constant 5.000000e+02 : f32
    %ne3A_65 = arith.cmpf one, %dot_general3A_61, %dot_general3A_61 : vector<128x3072xf32>
    %broadcast_in_dim3A_66 = vector.broadcast %jit3A_62 : f32 to vector<128x3072xf32>
    %select_n3A_67 = arith.select %ne3A_65, %broadcast_in_dim3A_66, %dot_general3A_61 : vector<128x3072xi1>, vector<128x3072xf32>
    %eq3A_68 = arith.constant 0x7F800000 : f32
    %eq3A_69 = vector.broadcast %eq3A_68 : f32 to vector<128x3072xf32>
    %eq3A_70 = arith.cmpf oeq, %select_n3A_67, %eq3A_69 : vector<128x3072xf32>
    %broadcast_in_dim3A_71 = vector.broadcast %jit3A_64 : f32 to vector<128x3072xf32>
    %select_n3A_72 = arith.select %eq3A_70, %broadcast_in_dim3A_71, %select_n3A_67 : vector<128x3072xi1>, vector<128x3072xf32>
    %eq3A_73 = arith.constant 0xFF800000 : f32
    %eq3A_74 = vector.broadcast %eq3A_73 : f32 to vector<128x3072xf32>
    %eq3A_75 = arith.cmpf oeq, %select_n3A_72, %eq3A_74 : vector<128x3072xf32>
    %broadcast_in_dim3A_76 = vector.broadcast %jit3A_63 : f32 to vector<128x3072xf32>
    %select_n3A_77 = arith.select %eq3A_75, %broadcast_in_dim3A_76, %select_n3A_72 : vector<128x3072xi1>, vector<128x3072xf32>
    %jit3A_78 = arith.constant -5.000000e+02 : f32
    %jit3A_79 = arith.constant 5.000000e+02 : f32
    %max3A_80 = vector.broadcast %jit3A_78 : f32 to vector<128x3072xf32>
    %max3A_81 = arith.maximumf %max3A_80, %select_n3A_77 : vector<128x3072xf32>
    %min3A_82 = vector.broadcast %jit3A_79 : f32 to vector<128x3072xf32>
    %min3A_83 = arith.minimumf %min3A_82, %max3A_81 : vector<128x3072xf32>
    %mul3A_84 = arith.mulf %mul3A, %min3A_83 : vector<128x3072xf32>
    %jit3A_85 = arith.constant -5.000000e+02 : f32
    %jit3A_86 = arith.constant 5.000000e+02 : f32
    %max3A_87 = vector.broadcast %jit3A_85 : f32 to vector<128x3072xf32>
    %max3A_88 = arith.maximumf %max3A_87, %mul3A_84 : vector<128x3072xf32>
    %min3A_89 = vector.broadcast %jit3A_86 : f32 to vector<128x3072xf32>
    %min3A_90 = arith.minimumf %min3A_89, %max3A_88 : vector<128x3072xf32>
    %get3A_91 = arith.constant 0 : index
    %get3A_92 = arith.constant 0 : index
    %get3A_93 = arith.constant 0 : index
    %get3A_94 = vector.load %arg6[%get3A_91, %get3A_92, %get3A_93] : memref<1x768x3072xf32, #tpu.memory_space<vmem>>, vector<1x768x3072xf32>
    %get3A_95 = vector.shape_cast %get3A_94 : vector<1x768x3072xf32> to vector<768x3072xf32>
    %dot_general3A_96 = arith.constant dense<0.000000e+00> : vector<128x768xf32>
    %dot_general3A_97 = tpu.matmul %min3A_90, %get3A_95, %dot_general3A_96 {dimension_numbers = #tpu.dot_dimension_numbers<[1], [1], [0], [0], [0, 0, 1, 0], [], []>, transpose_lhs_hint = false} : vector<128x3072xf32>, vector<768x3072xf32>, vector<128x768xf32> -> vector<128x768xf32>
    %jit3A_98 = arith.constant 0.000000e+00 : f32
    %jit3A_99 = arith.constant -5.000000e+02 : f32
    %jit3A_100 = arith.constant 5.000000e+02 : f32
    %ne3A_101 = arith.cmpf one, %dot_general3A_97, %dot_general3A_97 : vector<128x768xf32>
    %broadcast_in_dim3A_102 = vector.broadcast %jit3A_98 : f32 to vector<128x768xf32>
    %select_n3A_103 = arith.select %ne3A_101, %broadcast_in_dim3A_102, %dot_general3A_97 : vector<128x768xi1>, vector<128x768xf32>
    %eq3A_104 = arith.constant 0x7F800000 : f32
    %eq3A_105 = vector.broadcast %eq3A_104 : f32 to vector<128x768xf32>
    %eq3A_106 = arith.cmpf oeq, %select_n3A_103, %eq3A_105 : vector<128x768xf32>
    %broadcast_in_dim3A_107 = vector.broadcast %jit3A_100 : f32 to vector<128x768xf32>
    %select_n3A_108 = arith.select %eq3A_106, %broadcast_in_dim3A_107, %select_n3A_103 : vector<128x768xi1>, vector<128x768xf32>
    %eq3A_109 = arith.constant 0xFF800000 : f32
    %eq3A_110 = vector.broadcast %eq3A_109 : f32 to vector<128x768xf32>
    %eq3A_111 = arith.cmpf oeq, %select_n3A_108, %eq3A_110 : vector<128x768xf32>
    %broadcast_in_dim3A_112 = vector.broadcast %jit3A_99 : f32 to vector<128x768xf32>
    %select_n3A_113 = arith.select %eq3A_111, %broadcast_in_dim3A_112, %select_n3A_108 : vector<128x768xi1>, vector<128x768xf32>
    %jit3A_114 = arith.constant -5.000000e+02 : f32
    %jit3A_115 = arith.constant 5.000000e+02 : f32
    %max3A_116 = vector.broadcast %jit3A_114 : f32 to vector<128x768xf32>
    %max3A_117 = arith.maximumf %max3A_116, %select_n3A_113 : vector<128x768xf32>
    %min3A_118 = vector.broadcast %jit3A_115 : f32 to vector<128x768xf32>
    %min3A_119 = arith.minimumf %min3A_118, %max3A_117 : vector<128x768xf32>
    %get3A_120 = arith.constant 0 : index
    %get3A_121 = arith.constant 0 : index
    %get3A_122 = vector.load %arg7[%get3A_120, %get3A_121] : memref<128x1xf32, #tpu.memory_space<vmem>>, vector<128x1xf32>
    %mul3A_123 = vector.broadcast %get3A_122 : vector<128x1xf32> to vector<128x768xf32>
    %mul3A_124 = arith.mulf %min3A_119, %mul3A_123 : vector<128x768xf32>
    %swap3A = arith.constant 0 : index
    %swap3A_125 = arith.constant 0 : index
    %swap3A_126 = vector.load %arg8[%swap3A, %swap3A_125] : memref<128x768xf32, #tpu.memory_space<vmem>>, vector<128x768xf32>
    tpu.vector_store %arg8[%swap3A, %swap3A_125], %mul3A_124 {strides = array<i32>} : memref<128x768xf32, #tpu.memory_space<vmem>>, vector<128x768xf32>,
    return
  }
  func.func @transform_0(%arg0: i32, %arg1: memref<40xi32, #tpu.memory_space<smem>>, %arg2: memref<5120xi32, #tpu.memory_space<smem>>) -> (i32, i32) {
    %c0_i32 = arith.constant 0 : i32
    %c0_i32_0 = arith.constant 0 : i32
    %c0_i32_1 = arith.constant 0 : i32
    return %c0_i32, %c0_i32_0 : i32, i32
  }
  func.func @transform_1(%arg0: i32, %arg1: memref<40xi32, #tpu.memory_space<smem>>, %arg2: memref<5120xi32, #tpu.memory_space<smem>>) -> (i32, i32, i32) {
    %get3A = arith.index_cast %arg0 : i32 to index
    %get3A_0 = memref.load %arg1[%get3A] : memref<40xi32, #tpu.memory_space<smem>>
    %c0_i32 = arith.constant 0 : i32
    %c0_i32_1 = arith.constant 0 : i32
    %c0_i32_2 = arith.constant 0 : i32
    return %get3A_0, %c0_i32, %c0_i32_1 : i32, i32, i32
  }
  func.func @transform_2(%arg0: i32, %arg1: memref<40xi32, #tpu.memory_space<smem>>, %arg2: memref<5120xi32, #tpu.memory_space<smem>>) -> (i32, i32, i32) {
    %get3A = arith.index_cast %arg0 : i32 to index
    %get3A_0 = memref.load %arg1[%get3A] : memref<40xi32, #tpu.memory_space<smem>>
    %c0_i32 = arith.constant 0 : i32
    %c0_i32_1 = arith.constant 0 : i32
    %c0_i32_2 = arith.constant 0 : i32
    return %get3A_0, %c0_i32, %c0_i32_1 : i32, i32, i32
  }
  func.func @transform_3(%arg0: i32, %arg1: memref<40xi32, #tpu.memory_space<smem>>, %arg2: memref<5120xi32, #tpu.memory_space<smem>>) -> (i32, i32, i32) {
    %get3A = arith.index_cast %arg0 : i32 to index
    %get3A_0 = memref.load %arg1[%get3A] : memref<40xi32, #tpu.memory_space<smem>>
    %c0_i32 = arith.constant 0 : i32
    %c0_i32_1 = arith.constant 0 : i32
    %c0_i32_2 = arith.constant 0 : i32
    return %get3A_0, %c0_i32, %c0_i32_1 : i32, i32, i32
  }
  func.func @transform_4(%arg0: i32, %arg1: memref<40xi32, #tpu.memory_space<smem>>, %arg2: memref<5120xi32, #tpu.memory_space<smem>>) -> (i32, i32) {
    %c0_i32 = arith.constant 0 : i32
    %c0_i32_0 = arith.constant 0 : i32
    return %arg0, %c0_i32 : i32, i32
  }
  func.func @transform_5(%arg0: i32, %arg1: memref<40xi32, #tpu.memory_space<smem>>, %arg2: memref<5120xi32, #tpu.memory_space<smem>>) -> (i32, i32) {
    %c0_i32 = arith.constant 0 : i32
    %c0_i32_0 = arith.constant 0 : i32
    return %arg0, %c0_i32 : i32, i32
  }
}

</mosaic_0001>

<sc_bundles>
// kernel: kernel.6.cloned.1.call-start
scs
__scs_entry_jumppad:
0x0: {  	(pc) =	sbr.rel $0x88, $3  }
0x1: {  	(tag) =	ssettag $0x0;
	lr =	simm.s32 $0x1  }
0x2: {  	[smem:$0x3F96] =	sst lr;
	_ =	strace $0xD0000000  }
0x3: {  	_ = 	snop  }
0x4: {  	_ = 	snop  }
0x5: {  	_ = 	snop  }
0x6: {  	_ = 	snop  }
0x7: {  	_ = 	snop  }
__scs_overlays_trampoline_lowered:
0x8: {  	[smem:$0x3FA5] =	sst s0  }
0x9: {  	[smem:$0x3FA6] =	sst s1  }
0xa: {  	[smem:$0x3FA7] =	sst s2  }
0xb: {  	[smem:$0x3FA8] =	sst s3  }
0xc: {  	[smem:$0x3FA9] =	sst s4  }
0xd: {  	[smem:$0x3FAA] =	sst s5  }
0xe: {  	[smem:$0x3FAB] =	sst s6  }
0xf: {  	[smem:$0x3FAC] =	sst s7  }
0x10: {  	[smem:$0x3FAD] =	sst s8  }
0x11: {  	[smem:$0x3FAE] =	sst s9;
	s0 =	simm.s32 @!p0 $0x0  }
0x12: {  	s1 =	sld [smem:$0x3F94];
	s0 =	simm.s32 @p0 $0x1  }
0x13: {  	[smem:$0x3FAF] =	sst s0;
	s0 =	simm.s32 @!p1 $0x0  }
0x14: {  	s2 =	sld [smem:$0x3F93];
	s0 =	simm.s32 @p1 $0x1  }
0x15: {  	[smem:$0x3FB0] =	sst s0;
	s0 =	simm.s32 @!p2 $0x0  }
0x16: {  	s3 =	sld [smem:$0x3FDB];
	s0 =	simm.s32 @p2 $0x1  }
0x17: {  	s4 =	simm.s32 $0x1BF5;
	[smem:$0x3FB2] =	sst s0  }
0x18: {  	s0 =	sld [smem:$0x3F95];
	_ =	swait.ge [sflag:s4], $0x0  }
0x19: {  	s7 =	sld [smem:$0x3F96]  }
0x1a: {  	s8 =	sadd.s32 $0xFFFFE003, lr  }
0x1b: {  	s9 =	sadd.s32 $0xFFFFFEF7, lr;
	s5 =	simm.s32 $0xFFFFFFFF;
	p2 =	slt.u32 s8, $0xFFFFF086  }
0x1c: {  	p1 =	slt.u32 s9, $0xF7A;
	s5 =	simm.s32 @!p2 $0x0  }
0x1d: {  	s5 =	simm.s32 @p1 $0x1;
	p0 =	seq.s32 s7, s2  }
0x1e: {  	s7 =	smul.u32 @!p0 $0xF7A, s2;
	p2 =	seq.s32 @!p0 s5, $0x0  }
0x1f: {  	s9 =	smul.u32 $0xF7A, s1;
	s8 =	simm.s32 @!p0 $0x1BF5;
	p2 =	por !p2, p0  }
0x20: {  	[sflag:s8] =	ssyncset.s32 @!p0 $0xFFFFF086;
	s6 =	sadd.s32 @!p0 s3, s7;
	s7 =	simm.s32 @!p0 $0x108  }
0x21: {  	s3 =	sadd.s32 s3, s9;
	s6 =	sadd.s32 @!p0 $0x88, s6;
	s7 =	simm.s32 @p2 $0x1082  }
0x22: {  	[simem:s7], [sflag:s8] =	dma.local @!p0 [hbm:s6], $0xF7A  }
0x23: {  	s9 =	sor.u32 $0xD0000000, s2;
	s6 =	simm.s32 $0x108;
	_ =	swait.ge @!p0 [sflag:s8], $0x0  }
0x24: {  	s3 =	sadd.s32 $0x88, s3;
	s6 =	simm.s32 @!p1 $0x1082;
	[sflag:s4] =	ssyncset.s32 $0xFFFFF086  }
0x25: {  	[simem:s6], [sflag:s4] =	dma.local [hbm:s3], $0xF7A  }
0x26: {  	[smem:$0x3F96] =	sst s1;
	(tag) =	ssettag s2;
	_ =	strace s9  }
0x27: {  	s1 =	sld [smem:$0x3FA6]  }
0x28: {  	s2 =	sld [smem:$0x3FA7]  }
0x29: {  	s4 =	sld [smem:$0x3FA9]  }
0x2a: {  	p0 =	seq.s32 s5, $0x0;
	s5 =	sld [smem:$0x3FAA]  }
0x2b: {  	s6 =	sld [smem:$0x3FAB]  }
0x2c: {  	s7 =	sld [smem:$0x3FAC]  }
0x2d: {  	s3 =	simm.s32 $0x108;
	s8 =	sld [smem:$0x3FAD]  }
0x2e: {  	s3 =	simm.s32 @!p0 $0x1082;
	s9 =	sld [smem:$0x3FAE]  }
0x2f: {  	lr =	sadd.s32 s0, s3;
	s0 =	sld [smem:$0x3FA5]  }
0x30: {  	s3 =	sld [smem:$0x3FA8]  }
0x31: {  	[smem:$0x3FB1] =	sst s10  }
0x32: {  	s10 =	sld [smem:$0x3FAF];
	_ =	sdelay $0x3  }
0x33: {  	p0 =	seq.s32 s10, $0x1;
	s10 =	sld [smem:$0x3FB1];
	_ =	sdelay $0x3  }
0x34: {  	[smem:$0x3FB1] =	sst s10  }
0x35: {  	s10 =	sld [smem:$0x3FB0];
	_ =	sdelay $0x3  }
0x36: {  	p1 =	seq.s32 s10, $0x1;
	s10 =	sld [smem:$0x3FB1];
	_ =	sdelay $0x3  }
0x37: {  	[smem:$0x3FB1] =	sst s10  }
0x38: {  	s10 =	sld [smem:$0x3FB2]  }
0x39: {  	_ = 	snop;
	(pc) =	sbr.ind lr, $3  }
0x3a: {  	_ = 	snop  }
0x3b: {  	_ = 	snop  }
0x3c: {  	p2 =	seq.s32 s10, $0x1;
	s10 =	sld [smem:$0x3FB1]  }
0x3d: {  	_ =	shalt  }
0x3e: {  	_ =	shalt  }
0x3f: {  	_ =	shalt  }
0x40: {  	_ =	shalt  }
0x41: {  	_ =	shalt  }
0x42: {  	_ =	shalt  }
0x43: {  	_ =	shalt  }
0x44: {  	_ =	shalt  }
0x45: {  	_ =	shalt  }
0x46: {  	_ =	shalt  }
0x47: {  	_ =	shalt  }
0x48: {  	_ =	shalt  }
0x49: {  	_ =	shalt  }
0x4a: {  	_ =	shalt  }
0x4b: {  	_ =	shalt  }
0x4c: {  	_ =	shalt  }
0x4d: {  	_ =	shalt  }
0x4e: {  	_ =	shalt  }
0x4f: {  	_ =	shalt  }
0x50: {  	_ =	shalt  }
0x51: {  	_ =	shalt  }
0x52: {  	_ =	shalt  }
0x53: {  	_ =	shalt  }
0x54: {  	_ =	shalt  }
0x55: {  	_ =	shalt  }
0x56: {  	_ =	shalt  }
0x57: {  	_ =	shalt  }
0x58: {  	_ =	shalt  }
0x59: {  	_ =	shalt  }
0x5a: {  	_ =	shalt  }
0x5b: {  	_ =	shalt  }
0x5c: {  	_ =	shalt  }
0x5d: {  	_ =	shalt  }
0x5e: {  	_ =	shalt  }
0x5f: {  	_ =	shalt  }
0x60: {  	_ =	shalt  }
0x61: {  	_ =	shalt  }
0x62: {  	_ =	shalt  }
0x63: {  	_ =	shalt  }
0x64: {  	_ =	shalt  }
0x65: {  	_ =	shalt  }
0x66: {  	_ =	shalt  }
0x67: {  	_ =	shalt  }
0x68: {  	_ =	shalt  }
0x69: {  	_ =	shalt  }
0x6a: {  	_ =	shalt  }
0x6b: {  	_ =	shalt  }
0x6c: {  	_ =	shalt  }
0x6d: {  	_ =	shalt  }
0x6e: {  	_ =	shalt  }
0x6f: {  	_ =	shalt  }
0x70: {  	_ =	shalt  }
0x71: {  	_ =	shalt  }
0x72: {  	_ =	shalt  }
0x73: {  	_ =	shalt  }
0x74: {  	_ =	shalt  }
0x75: {  	_ =	shalt  }
0x76: {  	_ =	shalt  }
0x77: {  	_ =	shalt  }
0x78: {  	_ =	shalt  }
0x79: {  	_ =	shalt  }
0x7a: {  	_ =	shalt  }
0x7b: {  	_ =	shalt  }
0x7c: {  	_ =	shalt  }
0x7d: {  	_ =	shalt  }
0x7e: {  	_ =	shalt  }
0x7f: {  	_ =	shalt  }
0x80: {  	_ =	shalt  }
0x81: {  	_ =	shalt  }
0x82: {  	_ =	shalt  }
0x83: {  	_ =	shalt  }
0x84: {  	_ =	shalt  }
0x85: {  	_ =	shalt  }
0x86: {  	_ =	shalt  }
0x87: {  	_ =	shalt  }
.Lfunc_end0:
.L_simem_size_0:
called_computation_lowered:
.L_overlay_start_0:
0x88: {  	s2 =	sld [smem:$0x3FD9]  }
0x89: {  	s3 =	sld [smem:$0x3FFE];
	_ =	sdelay $0x1  }
0x8a: {  	s1 =	srdreg.scid  }
0x8b: {  	s0 =	sand.u32 $0x1, s1  }
0x8c: {  	s14 =	sshll.u32 s0, $0xA;
	s2 =	sadd.s32 s3, s2  }
0x8d: {  	s2 =	sadd.s32 s2, s14  }
0x8e: {  	[smem:$0x3FBD] =	sst s2  }
0x8f: {  	_ = 	snop  }
0x90: {  	s2 =	sld [smem:$0x3FD0];
	_ =	sdelay $0x2  }
0x91: {  	s15 =	simm.s32 $0xA;
	s4 =	simm.s32 $0x10  }
0x92: {  	[smem:s4], [sflag:s15] =	dma.local [hbm:s2], $0x1  }
0x93: {  	_ =	swait.eq [sflag:s15], $0x1  }
0x94: {  	[sflag:s15] =	ssyncset.done $0x0  }
0x95: {  	[sflag:s15] =	ssyncadd.s32 $0xFFFFFFFF  }
0x96: {  	s16 =	sld [smem:$0x10];
	(tm) =	ssettm $0x1  }
0x97: {  	s17 =	sld [smem:$0x3FFB];
	_ =	sdelay $0x3  }
0x98: {  	_ =	strace s17  }
0x99: {  	s3 =	sld [smem:$0x3FFC];
	_ =	sdelay $0x3  }
0x9a: {  	_ =	strace s3  }
0x9b: {  	s3 =	sld [smem:$0x3FFD];
	_ =	sdelay $0x3  }
0x9c: {  	_ =	strace s3  }
0x9d: {  	_ =	strace $0x8FFFFFFF  }
0x9e: {  	s18 =	sld [smem:$0x3FDB];
	_ =	sdelay $0x1  }
0x9f: {  	s19 =	simm.s32 $_scs_section_size  }
0xa0: {  	s5 =	simm.s32 $_size__tile_overlayer_lowered;
	s6 =	simm.s32 $_tile_overlayer_lowered  }
0xa1: {  	s22 =	simm.s32 $0x1BFF;
	s21 =	sshll.u32 s6, $0x1;
	s3 =	sadd.s32 s19, s18  }
0xa2: {  	s7 =	simm.s32 $0x0;
	s20 =	sshll.u32 s5, $0x1;
	s5 =	sadd.s32 s21, s3  }
0xa3: {  	[timem:s7], [sflag:s22] =	dma.local [hbm:s5], s20  }
0xa4: {  	_ =	swait.ge [sflag:s22], s20  }
0xa5: {  	s4 =	ssub.s32 $0x0, s20;
	[sflag:s22] =	ssyncset.done $0x0  }
0xa6: {  	[sflag:s22] =	ssyncadd.s32 s4;
	_ =	sdelay $0x1  }
0xa7: {  	s23 =	simm.s32 $0x1B8B  }
0xa8: {  	_ =	swait.ge [sflag:s23], $0x1  }
0xa9: {  	[sflag:s23] =	ssyncset.done $0x0  }
0xaa: {  	s25 =	simm.s32 $0x1B8E;
	s24 =	sld [smem:$0x3FFE];
	[sflag:s23] =	ssyncadd.s32 $0xFFFFFFFF  }
0xab: {  	s26 =	simm.s32 $execute0_lowered;
	[smem:$0x3FD2] =	sst s25  }
0xac: {  	s5 =	sshll.u32 s26, $0x1;
	_ =	strace $0x80000046;
	[dreg:$0x1] =	wrdreg $0xFFFFFFFF  }
0xad: {  	s28 =	simm.s32 $_size_execute0_lowered;
	s3 =	sadd.s32 s3, s5;
	[dreg:$0x0] =	wrdreg $0x0  }
0xae: {  	s5 =	sshll.u32 s28, $0x1;
	[dreg:$0x2] =	wrdreg s3  }
0xaf: {  	[dreg:$0x3] =	wrdreg s5  }
0xb0: {  	[dreg:$0x4] =	wrdreg $0xC0  }
0xb1: {  	_ =	task [dreg:s7], $0x5FFFF  }
0xb2: {  	[dreg:$0x1] =	wrdreg $0xFFFFFFFF  }
0xb3: {  	[dreg:$0x0] =	wrdreg $0x60  }
0xb4: {  	[dreg:$0x2] =	wrdreg s24  }
0xb5: {  	[dreg:$0x3] =	wrdreg s16  }
0xb6: {  	[dreg:$0x4] =	wrdreg $0x9  }
0xb7: {  	_ =	task.clear_ibuf [dreg:s7], $0x5FFFF;
	_ =	strace $0x90000046  }
0xb8: {  	s29 =	simm.s32 $0x9;
	_ =	strace $0x80000048  }
0xb9: {  	_ =	swait.ge [sflag:s29], $0x1  }
0xba: {  	[sflag:s29] =	ssyncadd.s32 $0xFFFFFFFF  }
0xbb: {  	_ =	strace $0x90000048  }
0xbc: {  	_ =	sfence  }
0xbd: {  	s30 =	sld [smem:$0x0];
	_ =	sdelay $0x2  }
0xbe: {  	s31 =	sshll.u32 s1, $0xD;
	s1 =	sshrl.u32 s1, $0x2  }
0xbf: {  	s3 =	sand.u32 $0x4000, s31;
	s1 =	sadd.s32 s1, s30  }
0xc0: {  	s0 =	sor.u32 s3, s0;
	s1 =	sshll.u32 s1, $0x11  }
0xc1: {  	s0 =	sor.u32 s1, s0  }
0xc2: {  	s0 =	sadd.s32 $0x8F2B, s0  }
0xc3: {  	[sflag:s0] =	ssyncadd.remote.s32 $0x1  }
0xc4: {  	_ =	sfence.sel $0xFFFF  }
0xc5: {  	[dreg:$0x0] =	wrdreg $0xFFFFFFFF;
	(pc) =	sbr.abs _section_cstart, $3  }
0xc6: {  	[dreg:$0x1] =	wrdreg $0xFFFFFFFF  }
0xc7: {  	_ =	task.clear_ibuf [dreg:s7], $0x2FFFF;
	_ =	strace $0x9FFFFFFF  }
0xc8: {  	(tm) =	ssettm $0x7FFFFFFF  }
0xc9: {  	_ =	shalt  }
tec
execute0_lowered:
.L_overlay_start_1:
0x0: {  	(tag) =	ssettag $0x1  }
0x1: {  	s0 =	srdreg.scid;
	s1 =	rddreg [dreg:$0x0]  }
0x2: {  	s2 =	stileid.u32;
	s4 =	rddreg [dreg:$0x1];
	s15 =	simm.s32 $0x5  }
0x3: {  	s16 =	simm.s32 $0x100;
	s17 =	simm.s32 $0xA100;
	s18 =	simm.s32 $0xB100  }
0x4: {  	s19 =	simm.s32 $0xC100;
	s20 =	simm.s32 $0x2;
	s21 =	simm.s32 $0x12100  }
0x5: {  	s0 =	sand.u32 $0x1, s0;
	s3 =	sshll.u32 s2, $0x7;
	s2 =	simm.s32 $0x0  }
0x6: {  	s10 =	sadd.s32 $0x200, s1;
	s12 =	sadd.s32 $0x800, s1;
	s6 =	sshll.u32 s0, $0x6  }
0x7: {  	[smem:$0x7FF] =	sst s2;
	s0 =	ssub.s32 $0x2, s0;
	s7 =	sor.u32 s6, s3  }
0x8: {  	_ =	strace $0x80000047;
	s3 =	sadd.s32 $0x30800, s1;
	s11 =	sshrl.u32 s0, $0x1  }
0x9: {  	s8 =	sshll.u32 s7, $0x1;
	s0 =	ssub.s32 s0, s11;
	s22 =	sshrl.u32 s7, $0x3  }
0xa: {  	s7 =	sor.u32 $0x20, s7;
	s9 =	sand.u32 $0xF00, s8;
	s11 =	smul.u32 $0x300, s22  }
0xb: {  	s24 =	sand.u32 $0x60, s7;
	s7 =	sshrl.u32 s7, $0x3;
	s0 =	smax.u32 s0, $0x1  }
0xc: {  	s22 =	simm.s32 $0x0;
	s5 =	sor.u32 s6, s9;
	s6 =	sor.u32 s6, s8  }
0xd: {  	s26 =	sor.u32 s8, s24;
	s28 =	sor.u32 s24, s9;
	s7 =	smul.u32 $0x300, s7  }
0xe: {  	[dreg:$0xb] =	wrdreg s0;
	s9 =	simm.s32 $0xA900;
	s5 =	sshrl.u32 s5, $0x3  }
0xf: {  	s13 =	sshrl.u32 s6, $0x3;
	s6 =	sadd.s32 $0x30A00, s1;
	s25 =	sadd.s32 s12, s11  }
0x10: {  	s8 =	sshrl.u32 s28, $0x3;
	s29 =	sadd.s32 s4, s11;
	[dreg:$0x5] =	wrdreg s25  }
0x11: {  	s11 =	simm.s32 $0x1;
	s5 =	sadd.s32 s10, s5;
	[dreg:$0x6] =	wrdreg s29  }
0x12: {  	s23 =	sor.u32 $0x10, s13;
	s8 =	sadd.s32 s10, s8;
	[dreg:$0x3] =	wrdreg s5  }
0x13: {  	s5 =	sadd.s32 $0x30900, s1;
	s1 =	sadd.s32 s10, s23;
	[dreg:$0x7] =	wrdreg s8  }
0x14: {  	s30 =	sadd.s32 s12, s7;
	[dreg:$0x4] =	wrdreg s1;
	s1 =	sshrl.u32 s26, $0x3  }
0x15: {  	v2 =	vlaneseq.u32;
	s31 =	sadd.s32 s4, s7;
	[dreg:$0x9] =	wrdreg s30;
	s1 =	sor.u32 $0x10, s1  }
0x16: {  	vm0 =	vmmov $0xffff;
	v1 =	vshrl.u32 v2, $0x3;
	s12 =	simm.s32 $0x3;
	[dreg:$0xa] =	wrdreg s31;
	s1 =	sadd.s32 s10, s1  }
0x17: {  	v0 =	vand.u32 $0x7, v2;
	v2 =	vor.u32 $0x8, v2;
	v1 =	vmul.u32 $0x8, v1;
	s13 =	simm.s32 $0x4;
	s10 =	simm.s32 $0xB900;
	[dreg:$0x8] =	wrdreg s1  }
.LBB2_1:
0x18: {  	s0 =	rddreg [dreg:$0x3]  }
0x19: {  	[tilespmem:s2], [sflag:$0x5] =	stream.linear.gather [hbm4b:s0+s2], $0x20, $0x38;
	[tilespmem:$0x18100] =	vst v63  }
0x1a: {  	_ =	swait.ge [sflag:s15], $0x20  }
0x1b: {  	[sflag:s15] =	ssyncset.done $0x0  }
0x1c: {  	[sflag:s15] =	ssyncadd.s32 $0xFFFFFFE0  }
0x1d: {  	v3 =	vld [tilespmem:$0x0];
	_ =	sdelay $0x4  }
0x1e: {  	v4 =	vshrl.u32 v3, $0x3  }
0x1f: {  	v4 =	vmul.u32 $0x30, v4  }
0x20: {  	v3 =	vand.u32 $0x7, v3  }
0x21: {  	v3 =	vor.u32 v3, v4  }
0x22: {  	v4 =	vperm.xlane v3, v0;
	_ =	sdelay $0x1  }
0x23: {  	v4 =	vadd.s32 v1, v4;
	_ =	sdelay $0x3  }
0x24: {  	v3 =	vperm.xlane v3, v2  }
0x25: {  	[tilespmem:s16], [sflag:$0x1] =	stream.indirect_vreg.gather [hbm4b:s3+s2], $0x80, v4, vm0, $0xb8;
	[tilespmem:$0x18100] =	vst v63  }
0x26: {  	s23 =	simm.s32 $0x900;
	v3 =	vadd.s32 v1, v3  }
0x27: {  	[tilespmem:s23], [sflag:$0x1] =	stream.indirect_vreg.gather [hbm4b:s5+s2], $0x80, v4, vm0, $0xb8;
	[tilespmem:$0x18100] =	vst v63  }
0x28: {  	s24 =	simm.s32 $0x1100  }
0x29: {  	[tilespmem:s24], [sflag:$0x1] =	stream.indirect_vreg.gather [hbm4b:s6+s2], $0x80, v4, vm0, $0xb8;
	[tilespmem:$0x18100] =	vst v63  }
0x2a: {  	s25 =	simm.s32 $0x1900  }
0x2b: {  	[tilespmem:s25], [sflag:$0x1] =	stream.indirect_vreg.gather [hbm4b:s3+s2], $0x80, v3, vm0, $0xb8;
	[tilespmem:$0x18100] =	vst v63  }
0x2c: {  	s26 =	simm.s32 $0x2100  }
0x2d: {  	[tilespmem:s26], [sflag:$0x1] =	stream.indirect_vreg.gather [hbm4b:s5+s2], $0x80, v3, vm0, $0xb8;
	[tilespmem:$0x18100] =	vst v63  }
0x2e: {  	s28 =	simm.s32 $0x2900  }
0x2f: {  	[tilespmem:s28], [sflag:$0x1] =	stream.indirect_vreg.gather [hbm4b:s6+s2], $0x80, v3, vm0, $0xb8;
	[tilespmem:$0x18100] =	vst v63  }
0x30: {  	v3 =	vld [tilespmem:$0x10];
	_ =	sdelay $0x4  }
0x31: {  	v61 =	vshrl.u32 v3, $0x3  }
0x32: {  	v4 =	vmul.u32 $0x30, v61  }
0x33: {  	v3 =	vand.u32 $0x7, v3  }
0x34: {  	v3 =	vor.u32 v3, v4  }
0x35: {  	v4 =	vperm.xlane v3, v0;
	_ =	sdelay $0x1  }
0x36: {  	v4 =	vadd.s32 v1, v4;
	_ =	sdelay $0x3  }
0x37: {  	s29 =	simm.s32 $0x3100;
	v3 =	vperm.xlane v3, v2  }
0x38: {  	[tilespmem:s29], [sflag:$0x1] =	stream.indirect_vreg.gather [hbm4b:s3+s2], $0x80, v4, vm0, $0xb8;
	[tilespmem:$0x18100] =	vst v63  }
0x39: {  	s30 =	simm.s32 $0x3900;
	v3 =	vadd.s32 v1, v3  }
0x3a: {  	[tilespmem:s30], [sflag:$0x1] =	stream.indirect_vreg.gather [hbm4b:s5+s2], $0x80, v4, vm0, $0xb8;
	[tilespmem:$0x18100] =	vst v63  }
0x3b: {  	s31 =	simm.s32 $0x4100  }
0x3c: {  	[tilespmem:s31], [sflag:$0x1] =	stream.indirect_vreg.gather [hbm4b:s6+s2], $0x80, v4, vm0, $0xb8;
	[tilespmem:$0x18100] =	vst v63  }
0x3d: {  	s1 =	simm.s32 $0x4900  }
0x3e: {  	[tilespmem:s1], [sflag:$0x1] =	stream.indirect_vreg.gather [hbm4b:s3+s2], $0x80, v3, vm0, $0xb8;
	[tilespmem:$0x18100] =	vst v63  }
0x3f: {  	s4 =	simm.s32 $0x5100  }
0x40: {  	[tilespmem:s4], [sflag:$0x1] =	stream.indirect_vreg.gather [hbm4b:s5+s2], $0x80, v3, vm0, $0xb8;
	[tilespmem:$0x18100] =	vst v63  }
0x41: {  	s7 =	simm.s32 $0x5900  }
0x42: {  	[tilespmem:s7], [sflag:$0x1] =	stream.indirect_vreg.gather [hbm4b:s6+s2], $0x80, v3, vm0, $0xb8;
	[tilespmem:$0x18100] =	vst v63  }
0x43: {  	s8 =	rddreg [dreg:$0x4];
	s1 =	simm.s32 $0x80  }
0x44: {  	[tilespmem:s1], [sflag:$0x5] =	stream.linear.gather [hbm4b:s8+s2], $0x20, $0x38;
	[tilespmem:$0x18100] =	vst v63  }
0x45: {  	_ =	swait.ge [sflag:s15], $0x20  }
0x46: {  	[sflag:s15] =	ssyncset.done $0x0  }
0x47: {  	[sflag:s15] =	ssyncadd.s32 $0xFFFFFFE0  }
0x48: {  	v3 =	vld [tilespmem:$0x80];
	_ =	sdelay $0x4  }
0x49: {  	v62 =	vshrl.u32 v3, $0x3  }
0x4a: {  	v4 =	vmul.u32 $0x30, v62  }
0x4b: {  	v3 =	vand.u32 $0x7, v3  }
0x4c: {  	v3 =	vor.u32 v3, v4  }
0x4d: {  	v4 =	vperm.xlane v3, v0;
	_ =	sdelay $0x1  }
0x4e: {  	v4 =	vadd.s32 v1, v4;
	_ =	sdelay $0x3  }
0x4f: {  	s14 =	simm.s32 $0x6100;
	v3 =	vperm.xlane v3, v2  }
0x50: {  	[tilespmem:s14], [sflag:$0x2] =	stream.indirect_vreg.gather [hbm4b:s3+s2], $0x80, v4, vm0, $0xb8;
	[tilespmem:$0x18100] =	vst v63  }
0x51: {  	s23 =	simm.s32 $0x6900;
	v3 =	vadd.s32 v1, v3  }
0x52: {  	[tilespmem:s23], [sflag:$0x2] =	stream.indirect_vreg.gather [hbm4b:s5+s2], $0x80, v4, vm0, $0xb8;
	[tilespmem:$0x18100] =	vst v63  }
0x53: {  	s24 =	simm.s32 $0x7100  }
0x54: {  	[tilespmem:s24], [sflag:$0x2] =	stream.indirect_vreg.gather [hbm4b:s6+s2], $0x80, v4, vm0, $0xb8;
	[tilespmem:$0x18100] =	vst v63  }
0x55: {  	s25 =	simm.s32 $0x7900  }
0x56: {  	[tilespmem:s25], [sflag:$0x2] =	stream.indirect_vreg.gather [hbm4b:s3+s2], $0x80, v3, vm0, $0xb8;
	[tilespmem:$0x18100] =	vst v63  }
0x57: {  	s26 =	simm.s32 $0x8100  }
0x58: {  	[tilespmem:s26], [sflag:$0x2] =	stream.indirect_vreg.gather [hbm4b:s5+s2], $0x80, v3, vm0, $0xb8;
	[tilespmem:$0x18100] =	vst v63  }
0x59: {  	s28 =	simm.s32 $0x8900  }
0x5a: {  	[tilespmem:s28], [sflag:$0x2] =	stream.indirect_vreg.gather [hbm4b:s6+s2], $0x80, v3, vm0, $0xb8;
	[tilespmem:$0x18100] =	vst v63  }
0x5b: {  	v3 =	vld [tilespmem:$0x90];
	_ =	sdelay $0x4  }
0x5c: {  	v63 =	vshrl.u32 v3, $0x3  }
0x5d: {  	v4 =	vmul.u32 $0x30, v63  }
0x5e: {  	v3 =	vand.u32 $0x7, v3  }
0x5f: {  	v3 =	vor.u32 v3, v4  }
0x60: {  	v4 =	vperm.xlane v3, v0;
	_ =	sdelay $0x1  }
0x61: {  	v4 =	vadd.s32 v1, v4;
	_ =	sdelay $0x3  }
0x62: {  	s29 =	simm.s32 $0x9100;
	v3 =	vperm.xlane v3, v2  }
0x63: {  	[tilespmem:s29], [sflag:$0x2] =	stream.indirect_vreg.gather [hbm4b:s3+s2], $0x80, v4, vm0, $0xb8;
	[tilespmem:$0x18100] =	vst v63  }
0x64: {  	s30 =	simm.s32 $0x9900;
	v3 =	vadd.s32 v1, v3  }
0x65: {  	[tilespmem:s30], [sflag:$0x2] =	stream.indirect_vreg.gather [hbm4b:s5+s2], $0x80, v4, vm0, $0xb8;
	[tilespmem:$0x18100] =	vst v63  }
0x66: {  	_ = 	snop  }
0x67: {  	[tilespmem:s17], [sflag:$0x2] =	stream.indirect_vreg.gather [hbm4b:s6+s2], $0x80, v4, vm0, $0xb8;
	[tilespmem:$0x18100] =	vst v63  }
0x68: {  	_ = 	snop  }
0x69: {  	[tilespmem:s9], [sflag:$0x2] =	stream.indirect_vreg.gather [hbm4b:s3+s2], $0x80, v3, vm0, $0xb8;
	[tilespmem:$0x18100] =	vst v63  }
0x6a: {  	_ = 	snop  }
0x6b: {  	[tilespmem:s18], [sflag:$0x2] =	stream.indirect_vreg.gather [hbm4b:s5+s2], $0x80, v3, vm0, $0xb8;
	[tilespmem:$0x18100] =	vst v63  }
0x6c: {  	_ = 	snop  }
0x6d: {  	[tilespmem:s10], [sflag:$0x2] =	stream.indirect_vreg.gather [hbm4b:s6+s2], $0x80, v3, vm0, $0xb8;
	[tilespmem:$0x18100] =	vst v63  }
0x6e: {  	s31 =	rddreg [dreg:$0x5]  }
0x6f: {  	[tilespmem:s19], [sflag:$0x3] =	stream.linear.gather [hbm4b:s31+s2], $0x6000, $0x38;
	[tilespmem:$0x18100] =	vst v63  }
0x70: {  	_ =	swait.ge [sflag:s11], $0x6000  }
0x71: {  	[sflag:s11] =	ssyncset.done $0x0  }
0x72: {  	[sflag:s11] =	ssyncadd.s32 $0xFFFFA000  }
0x73: {  	_ =	swait.ge [sflag:s20], $0x6000  }
0x74: {  	[sflag:s20] =	ssyncset.done $0x0  }
0x75: {  	[sflag:s20] =	ssyncadd.s32 $0xFFFFA000  }
0x76: {  	_ =	swait.ge [sflag:s12], $0x6000  }
0x77: {  	[sflag:s12] =	ssyncset.done $0x0  }
0x78: {  	s14 =	simm.s32 $0x0;
	[sflag:s12] =	ssyncadd.s32 $0xFFFFA000  }
.LBB2_2:
0x79: {  	s0 =	sshrl.u32 s14, $0x3  }
0x7a: {  	s4 =	sshll.u32 s14, $0x7;
	s24 =	simm.s32 $0x0;
	s23 =	smul.u32 $0x1800, s0  }
0x7b: {  	s25 =	sand.u32 $0x380, s4;
	s7 =	sand.u32 $0x40, s24;
	s1 =	sand.u32 $0x1C00, s24  }
0x7c: {  	s4 =	sor.u32 s25, s7;
	s1 =	sadd.s32 s23, s1  }
0x7d: {  	s4 =	sor.u32 s1, s4  }
0x7e: {  	v3 =	vld [tilespmem:s4+$0x100]  }
0x7f: {  	v4 =	vld [tilespmem:s4+$0x6100];
	_ =	sdelay $0x1  }
0x80: {  	v5 =	vld [tilespmem:s4+$0xC100];
	_ =	sdelay $0x2  }
0x81: {  	v3 =	vadd.f32 v4, v3;
	_ =	sdelay $0x1  }
0x82: {  	v3 =	vadd.f32 v5, v3;
	_ =	sdelay $0x1  }
0x83: {  	s26 =	sor.u32 $0x10, s25;
	v3 =	vmax.f32 v3, $-5.000000000e+02  }
0x84: {  	s28 =	sor.u32 s26, s7;
	v3 =	vmin.f32 v3, $5.000000000e+02  }
0x85: {  	s8 =	sor.u32 s1, s28;
	[tilespmem:s4+$0xC100] =	vst v3  }
0x86: {  	v3 =	vld [tilespmem:s8+$0x100]  }
0x87: {  	v4 =	vld [tilespmem:s8+$0x6100];
	_ =	sdelay $0x1  }
0x88: {  	v5 =	vld [tilespmem:s8+$0xC100];
	_ =	sdelay $0x2  }
0x89: {  	v3 =	vadd.f32 v4, v3;
	_ =	sdelay $0x1  }
0x8a: {  	v3 =	vadd.f32 v5, v3;
	_ =	sdelay $0x1  }
0x8b: {  	s28 =	sor.u32 $0x20, s25;
	v3 =	vmax.f32 v3, $-5.000000000e+02  }
0x8c: {  	s29 =	sor.u32 s28, s7;
	v3 =	vmin.f32 v3, $5.000000000e+02  }
0x8d: {  	s31 =	sor.u32 s1, s29;
	[tilespmem:s8+$0xC100] =	vst v3  }
0x8e: {  	v3 =	vld [tilespmem:s31+$0x100]  }
0x8f: {  	v4 =	vld [tilespmem:s31+$0x6100];
	_ =	sdelay $0x1  }
0x90: {  	v5 =	vld [tilespmem:s31+$0xC100];
	_ =	sdelay $0x2  }
0x91: {  	v3 =	vadd.f32 v4, v3;
	_ =	sdelay $0x1  }
0x92: {  	v3 =	vadd.f32 v5, v3;
	_ =	sdelay $0x1  }
0x93: {  	s29 =	sor.u32 $0x30, s25;
	v3 =	vmax.f32 v3, $-5.000000000e+02  }
0x94: {  	s0 =	sor.u32 s29, s7;
	v3 =	vmin.f32 v3, $5.000000000e+02  }
0x95: {  	s0 =	sor.u32 s1, s0;
	[tilespmem:s31+$0xC100] =	vst v3  }
0x96: {  	v4 =	vld [tilespmem:s0+$0x100]  }
0x97: {  	v5 =	vld [tilespmem:s0+$0x6100];
	_ =	sdelay $0x2  }
0x98: {  	v3 =	vld [tilespmem:s0+$0xC100];
	_ =	sdelay $0x1  }
0x99: {  	s30 =	simm.s32 $0x40;
	v4 =	vadd.f32 v5, v4  }
.LBB2_3:
0x9a: {  	p0 =	sne.s32 s30, $0x2C0  }
0x9b: {  	s24 =	sadd.s32 $0x200, s24;
	s1 =	smov.u32 s30;
	s30 =	sadd.s32 $0x40, s30  }
0x9c: {  	v3 =	vadd.f32 v3, v4  }
0x9d: {  	s1 =	sand.u32 $0x40, s1;
	s4 =	sand.u32 $0x1C00, s24  }
0x9e: {  	s31 =	sadd.s32 s23, s4;
	s4 =	sor.u32 s25, s1;
	s7 =	sor.u32 s26, s1;
	v3 =	vmax.f32 v3, $-5.000000000e+02  }
0x9f: {  	s8 =	sor.u32 s28, s1;
	s1 =	sor.u32 s29, s1;
	s4 =	sor.u32 s31, s4;
	v3 =	vmin.f32 v3, $5.000000000e+02  }
0xa0: {  	[tilespmem:s0+$0xC100] =	vst v3  }
0xa1: {  	v3 =	vld [tilespmem:s4+$0x100]  }
0xa2: {  	v4 =	vld [tilespmem:s4+$0x6100];
	_ =	sdelay $0x1  }
0xa3: {  	v5 =	vld [tilespmem:s4+$0xC100];
	_ =	sdelay $0x2  }
0xa4: {  	v3 =	vadd.f32 v4, v3;
	_ =	sdelay $0x1  }
0xa5: {  	v3 =	vadd.f32 v5, v3;
	_ =	sdelay $0x1  }
0xa6: {  	v3 =	vmax.f32 v3, $-5.000000000e+02  }
0xa7: {  	v3 =	vmin.f32 v3, $5.000000000e+02  }
0xa8: {  	s0 =	sor.u32 s31, s7;
	[tilespmem:s4+$0xC100] =	vst v3  }
0xa9: {  	v3 =	vld [tilespmem:s0+$0x100]  }
0xaa: {  	v4 =	vld [tilespmem:s0+$0x6100];
	_ =	sdelay $0x1  }
0xab: {  	v5 =	vld [tilespmem:s0+$0xC100];
	_ =	sdelay $0x2  }
0xac: {  	v3 =	vadd.f32 v4, v3;
	_ =	sdelay $0x1  }
0xad: {  	v3 =	vadd.f32 v5, v3;
	_ =	sdelay $0x1  }
0xae: {  	v3 =	vmax.f32 v3, $-5.000000000e+02  }
0xaf: {  	v3 =	vmin.f32 v3, $5.000000000e+02  }
0xb0: {  	[tilespmem:s0+$0xC100] =	vst v3;
	s0 =	sor.u32 s31, s8  }
0xb1: {  	v3 =	vld [tilespmem:s0+$0x100]  }
0xb2: {  	v4 =	vld [tilespmem:s0+$0x6100];
	_ =	sdelay $0x1  }
0xb3: {  	v5 =	vld [tilespmem:s0+$0xC100];
	_ =	sdelay $0x2  }
0xb4: {  	v3 =	vadd.f32 v4, v3;
	_ =	sdelay $0x1  }
0xb5: {  	v3 =	vadd.f32 v5, v3;
	_ =	sdelay $0x1  }
0xb6: {  	v3 =	vmax.f32 v3, $-5.000000000e+02  }
0xb7: {  	v3 =	vmin.f32 v3, $5.000000000e+02  }
0xb8: {  	[tilespmem:s0+$0xC100] =	vst v3;
	s0 =	sor.u32 s31, s1  }
0xb9: {  	v4 =	vld [tilespmem:s0+$0x100]  }
0xba: {  	v5 =	vld [tilespmem:s0+$0x6100]  }
.Ltmp0:
0xbb: {  	v3 =	vld [tilespmem:s0+$0xC100];
	(pc) =	sbr.rel @p0 .LBB2_3-.Ltmp0, $2  }
0xbc: {  	_ =	sdelay $0x2  }
0xbd: {  	v4 =	vadd.f32 v5, v4  }
0xbe: {  	s14 =	sadd.s32 $0x1, s14  }
0xbf: {  	p0 =	sne.s32 s14, $0x20  }
.Ltmp1:
0xc0: {  	v3 =	vadd.f32 v3, v4;
	(pc) =	sbr.rel @p0 .LBB2_2-.Ltmp1, $4  }
0xc1: {  	_ = 	snop  }
0xc2: {  	v3 =	vmax.f32 v3, $-5.000000000e+02  }
0xc3: {  	v3 =	vmin.f32 v3, $5.000000000e+02  }
0xc4: {  	[tilespmem:s0+$0xC100] =	vst v3  }
0xc5: {  	s14 =	simm.s32 $0x0;
	s0 =	rddreg [dreg:$0x6]  }
0xc6: {  	[hbm4b:s0+s14] =	stream.linear.scatter [tilespmem:s19], [sflag:$0x4], $0x6000, $0x38;
	[tilespmem:$0x18100] =	vst v63  }
0xc7: {  	s8 =	rddreg [dreg:$0x7]  }
0xc8: {  	[tilespmem:s14], [sflag:$0x5] =	stream.linear.gather [hbm4b:s8+s14], $0x20, $0x38;
	[tilespmem:$0x18100] =	vst v63  }
0xc9: {  	_ =	swait.ge [sflag:s15], $0x20  }
0xca: {  	[sflag:s15] =	ssyncset.done $0x0  }
0xcb: {  	[sflag:s15] =	ssyncadd.s32 $0xFFFFFFE0  }
0xcc: {  	v3 =	vld [tilespmem:$0x0];
	_ =	sdelay $0x4  }
0xcd: {  	v4 =	vshrl.u32 v3, $0x3  }
0xce: {  	v4 =	vmul.u32 $0x30, v4  }
0xcf: {  	v3 =	vand.u32 $0x7, v3  }
0xd0: {  	v3 =	vor.u32 v3, v4  }
0xd1: {  	v4 =	vperm.xlane v3, v0;
	_ =	sdelay $0x1  }
0xd2: {  	v4 =	vadd.s32 v1, v4;
	_ =	sdelay $0x3  }
0xd3: {  	v3 =	vperm.xlane v3, v2  }
0xd4: {  	[tilespmem:s16], [sflag:$0x1] =	stream.indirect_vreg.gather [hbm4b:s3+s14], $0x80, v4, vm0, $0xb8;
	[tilespmem:$0x18100] =	vst v63  }
0xd5: {  	s23 =	simm.s32 $0x900;
	v3 =	vadd.s32 v1, v3  }
0xd6: {  	[tilespmem:s23], [sflag:$0x1] =	stream.indirect_vreg.gather [hbm4b:s5+s14], $0x80, v4, vm0, $0xb8;
	[tilespmem:$0x18100] =	vst v63  }
0xd7: {  	s24 =	simm.s32 $0x1100  }
0xd8: {  	[tilespmem:s24], [sflag:$0x1] =	stream.indirect_vreg.gather [hbm4b:s6+s14], $0x80, v4, vm0, $0xb8;
	[tilespmem:$0x18100] =	vst v63  }
0xd9: {  	s25 =	simm.s32 $0x1900  }
0xda: {  	[tilespmem:s25], [sflag:$0x1] =	stream.indirect_vreg.gather [hbm4b:s3+s14], $0x80, v3, vm0, $0xb8;
	[tilespmem:$0x18100] =	vst v63  }
0xdb: {  	s26 =	simm.s32 $0x2100  }
0xdc: {  	[tilespmem:s26], [sflag:$0x1] =	stream.indirect_vreg.gather [hbm4b:s5+s14], $0x80, v3, vm0, $0xb8;
	[tilespmem:$0x18100] =	vst v63  }
0xdd: {  	s28 =	simm.s32 $0x2900  }
0xde: {  	[tilespmem:s28], [sflag:$0x1] =	stream.indirect_vreg.gather [hbm4b:s6+s14], $0x80, v3, vm0, $0xb8;
	[tilespmem:$0x18100] =	vst v63  }
0xdf: {  	v3 =	vld [tilespmem:$0x10];
	_ =	sdelay $0x4  }
0xe0: {  	v61 =	vshrl.u32 v3, $0x3  }
0xe1: {  	v4 =	vmul.u32 $0x30, v61  }
0xe2: {  	v3 =	vand.u32 $0x7, v3  }
0xe3: {  	v3 =	vor.u32 v3, v4  }
0xe4: {  	v4 =	vperm.xlane v3, v0;
	_ =	sdelay $0x1  }
0xe5: {  	v4 =	vadd.s32 v1, v4;
	_ =	sdelay $0x3  }
0xe6: {  	s29 =	simm.s32 $0x3100;
	v3 =	vperm.xlane v3, v2  }
0xe7: {  	[tilespmem:s29], [sflag:$0x1] =	stream.indirect_vreg.gather [hbm4b:s3+s14], $0x80, v4, vm0, $0xb8;
	[tilespmem:$0x18100] =	vst v63  }
0xe8: {  	s30 =	simm.s32 $0x3900;
	v3 =	vadd.s32 v1, v3  }
0xe9: {  	[tilespmem:s30], [sflag:$0x1] =	stream.indirect_vreg.gather [hbm4b:s5+s14], $0x80, v4, vm0, $0xb8;
	[tilespmem:$0x18100] =	vst v63  }
0xea: {  	s31 =	simm.s32 $0x4100  }
0xeb: {  	[tilespmem:s31], [sflag:$0x1] =	stream.indirect_vreg.gather [hbm4b:s6+s14], $0x80, v4, vm0, $0xb8;
	[tilespmem:$0x18100] =	vst v63  }
0xec: {  	s1 =	simm.s32 $0x4900  }
0xed: {  	[tilespmem:s1], [sflag:$0x1] =	stream.indirect_vreg.gather [hbm4b:s3+s14], $0x80, v3, vm0, $0xb8;
	[tilespmem:$0x18100] =	vst v63  }
0xee: {  	s4 =	simm.s32 $0x5100  }
0xef: {  	[tilespmem:s4], [sflag:$0x1] =	stream.indirect_vreg.gather [hbm4b:s5+s14], $0x80, v3, vm0, $0xb8;
	[tilespmem:$0x18100] =	vst v63  }
0xf0: {  	s7 =	simm.s32 $0x5900  }
0xf1: {  	[tilespmem:s7], [sflag:$0x1] =	stream.indirect_vreg.gather [hbm4b:s6+s14], $0x80, v3, vm0, $0xb8;
	[tilespmem:$0x18100] =	vst v63  }
0xf2: {  	s8 =	rddreg [dreg:$0x8];
	s1 =	simm.s32 $0x80  }
0xf3: {  	[tilespmem:s1], [sflag:$0x5] =	stream.linear.gather [hbm4b:s8+s14], $0x20, $0x38;
	[tilespmem:$0x18100] =	vst v63  }
0xf4: {  	_ =	swait.ge [sflag:s15], $0x20  }
0xf5: {  	[sflag:s15] =	ssyncset.done $0x0  }
0xf6: {  	[sflag:s15] =	ssyncadd.s32 $0xFFFFFFE0  }
0xf7: {  	v3 =	vld [tilespmem:$0x80];
	_ =	sdelay $0x4  }
0xf8: {  	v62 =	vshrl.u32 v3, $0x3  }
0xf9: {  	v4 =	vmul.u32 $0x30, v62  }
0xfa: {  	v3 =	vand.u32 $0x7, v3  }
0xfb: {  	v3 =	vor.u32 v3, v4  }
0xfc: {  	v4 =	vperm.xlane v3, v0;
	_ =	sdelay $0x1  }
0xfd: {  	v4 =	vadd.s32 v1, v4;
	_ =	sdelay $0x3  }
0xfe: {  	s16 =	simm.s32 $0x6100;
	v3 =	vperm.xlane v3, v2  }
0xff: {  	[tilespmem:s16], [sflag:$0x2] =	stream.indirect_vreg.gather [hbm4b:s3+s14], $0x80, v4, vm0, $0xb8;
	[tilespmem:$0x18100] =	vst v63  }
0x100: {  	s23 =	simm.s32 $0x6900;
	v3 =	vadd.s32 v1, v3  }
0x101: {  	[tilespmem:s23], [sflag:$0x2] =	stream.indirect_vreg.gather [hbm4b:s5+s14], $0x80, v4, vm0, $0xb8;
	[tilespmem:$0x18100] =	vst v63  }
0x102: {  	s24 =	simm.s32 $0x7100  }
0x103: {  	[tilespmem:s24], [sflag:$0x2] =	stream.indirect_vreg.gather [hbm4b:s6+s14], $0x80, v4, vm0, $0xb8;
	[tilespmem:$0x18100] =	vst v63  }
0x104: {  	s25 =	simm.s32 $0x7900  }
0x105: {  	[tilespmem:s25], [sflag:$0x2] =	stream.indirect_vreg.gather [hbm4b:s3+s14], $0x80, v3, vm0, $0xb8;
	[tilespmem:$0x18100] =	vst v63  }
0x106: {  	s26 =	simm.s32 $0x8100  }
0x107: {  	[tilespmem:s26], [sflag:$0x2] =	stream.indirect_vreg.gather [hbm4b:s5+s14], $0x80, v3, vm0, $0xb8;
	[tilespmem:$0x18100] =	vst v63  }
0x108: {  	s28 =	simm.s32 $0x8900  }
0x109: {  	[tilespmem:s28], [sflag:$0x2] =	stream.indirect_vreg.gather [hbm4b:s6+s14], $0x80, v3, vm0, $0xb8;
	[tilespmem:$0x18100] =	vst v63  }
0x10a: {  	v3 =	vld [tilespmem:$0x90];
	_ =	sdelay $0x4  }
0x10b: {  	v63 =	vshrl.u32 v3, $0x3  }
0x10c: {  	v4 =	vmul.u32 $0x30, v63  }
0x10d: {  	v3 =	vand.u32 $0x7, v3  }
0x10e: {  	v3 =	vor.u32 v3, v4  }
0x10f: {  	v4 =	vperm.xlane v3, v0;
	_ =	sdelay $0x1  }
0x110: {  	v4 =	vadd.s32 v1, v4;
	_ =	sdelay $0x3  }
0x111: {  	s29 =	simm.s32 $0x9100;
	v3 =	vperm.xlane v3, v2  }
0x112: {  	[tilespmem:s29], [sflag:$0x2] =	stream.indirect_vreg.gather [hbm4b:s3+s14], $0x80, v4, vm0, $0xb8;
	[tilespmem:$0x18100] =	vst v63  }
0x113: {  	s30 =	simm.s32 $0x9900;
	v3 =	vadd.s32 v1, v3  }
0x114: {  	[tilespmem:s30], [sflag:$0x2] =	stream.indirect_vreg.gather [hbm4b:s5+s14], $0x80, v4, vm0, $0xb8;
	[tilespmem:$0x18100] =	vst v63  }
0x115: {  	_ = 	snop  }
0x116: {  	[tilespmem:s17], [sflag:$0x2] =	stream.indirect_vreg.gather [hbm4b:s6+s14], $0x80, v4, vm0, $0xb8;
	[tilespmem:$0x18100] =	vst v63  }
0x117: {  	_ = 	snop  }
0x118: {  	[tilespmem:s9], [sflag:$0x2] =	stream.indirect_vreg.gather [hbm4b:s3+s14], $0x80, v3, vm0, $0xb8;
	[tilespmem:$0x18100] =	vst v63  }
0x119: {  	_ = 	snop  }
0x11a: {  	[tilespmem:s18], [sflag:$0x2] =	stream.indirect_vreg.gather [hbm4b:s5+s14], $0x80, v3, vm0, $0xb8;
	[tilespmem:$0x18100] =	vst v63  }
0x11b: {  	_ = 	snop  }
0x11c: {  	[tilespmem:s10], [sflag:$0x2] =	stream.indirect_vreg.gather [hbm4b:s6+s14], $0x80, v3, vm0, $0xb8;
	[tilespmem:$0x18100] =	vst v63  }
0x11d: {  	s31 =	rddreg [dreg:$0x9]  }
0x11e: {  	[tilespmem:s21], [sflag:$0x3] =	stream.linear.gather [hbm4b:s31+s14], $0x6000, $0x38;
	[tilespmem:$0x18100] =	vst v63  }
0x11f: {  	_ =	swait.ge [sflag:s11], $0x6000  }
0x120: {  	[sflag:s11] =	ssyncset.done $0x0  }
0x121: {  	[sflag:s11] =	ssyncadd.s32 $0xFFFFA000  }
0x122: {  	_ =	swait.ge [sflag:s20], $0x6000  }
0x123: {  	[sflag:s20] =	ssyncset.done $0x0  }
0x124: {  	[sflag:s20] =	ssyncadd.s32 $0xFFFFA000  }
0x125: {  	_ =	swait.ge [sflag:s12], $0x6000  }
0x126: {  	[sflag:s12] =	ssyncset.done $0x0  }
0x127: {  	s23 =	simm.s32 $0x0;
	[sflag:s12] =	ssyncadd.s32 $0xFFFFA000  }
.LBB2_6:
0x128: {  	s0 =	sshrl.u32 s23, $0x3  }
0x129: {  	s4 =	sshll.u32 s23, $0x7;
	s24 =	smul.u32 $0x1800, s0  }
0x12a: {  	s1 =	sand.u32 $0x1C00, s14;
	s25 =	sand.u32 $0x380, s4;
	s0 =	sand.u32 $0x40, s14  }
0x12b: {  	s4 =	sor.u32 s25, s0;
	s1 =	sadd.s32 s24, s1  }
0x12c: {  	s4 =	sor.u32 s1, s4  }
0x12d: {  	v3 =	vld [tilespmem:s4+$0x100]  }
0x12e: {  	v4 =	vld [tilespmem:s4+$0x6100];
	_ =	sdelay $0x1  }
0x12f: {  	v5 =	vld [tilespmem:s4+$0x12100];
	_ =	sdelay $0x2  }
0x130: {  	v3 =	vadd.f32 v4, v3;
	_ =	sdelay $0x1  }
0x131: {  	v3 =	vadd.f32 v5, v3;
	_ =	sdelay $0x1  }
0x132: {  	s26 =	sor.u32 $0x10, s25;
	v3 =	vmax.f32 v3, $-5.000000000e+02  }
0x133: {  	s7 =	sor.u32 s26, s0;
	v3 =	vmin.f32 v3, $5.000000000e+02  }
0x134: {  	s7 =	sor.u32 s1, s7;
	[tilespmem:s4+$0x12100] =	vst v3  }
0x135: {  	v3 =	vld [tilespmem:s7+$0x100]  }
0x136: {  	v4 =	vld [tilespmem:s7+$0x6100];
	_ =	sdelay $0x1  }
0x137: {  	v5 =	vld [tilespmem:s7+$0x12100];
	_ =	sdelay $0x2  }
0x138: {  	v3 =	vadd.f32 v4, v3;
	_ =	sdelay $0x1  }
0x139: {  	v3 =	vadd.f32 v5, v3;
	_ =	sdelay $0x1  }
0x13a: {  	s28 =	sor.u32 $0x20, s25;
	v3 =	vmax.f32 v3, $-5.000000000e+02  }
0x13b: {  	s8 =	sor.u32 s28, s0;
	v3 =	vmin.f32 v3, $5.000000000e+02  }
0x13c: {  	s16 =	sor.u32 s1, s8;
	[tilespmem:s7+$0x12100] =	vst v3  }
0x13d: {  	v3 =	vld [tilespmem:s16+$0x100]  }
0x13e: {  	v4 =	vld [tilespmem:s16+$0x6100];
	_ =	sdelay $0x1  }
0x13f: {  	v5 =	vld [tilespmem:s16+$0x12100];
	_ =	sdelay $0x2  }
0x140: {  	v3 =	vadd.f32 v4, v3;
	_ =	sdelay $0x1  }
0x141: {  	v3 =	vadd.f32 v5, v3;
	_ =	sdelay $0x1  }
0x142: {  	s29 =	sor.u32 $0x30, s25;
	v3 =	vmax.f32 v3, $-5.000000000e+02  }
0x143: {  	s0 =	sor.u32 s29, s0;
	v3 =	vmin.f32 v3, $5.000000000e+02  }
0x144: {  	s4 =	sor.u32 s1, s0;
	[tilespmem:s16+$0x12100] =	vst v3  }
0x145: {  	v4 =	vld [tilespmem:s4+$0x100]  }
0x146: {  	v5 =	vld [tilespmem:s4+$0x6100];
	_ =	sdelay $0x2  }
0x147: {  	v3 =	vld [tilespmem:s4+$0x12100];
	_ =	sdelay $0x1  }
0x148: {  	s30 =	simm.s32 $0x40;
	s31 =	simm.s32 $0x0;
	v4 =	vadd.f32 v5, v4  }
.LBB2_7:
0x149: {  	p0 =	sne.s32 s30, $0x2C0  }
0x14a: {  	s31 =	sadd.s32 $0x200, s31;
	s0 =	smov.u32 s30;
	s30 =	sadd.s32 $0x40, s30  }
0x14b: {  	v3 =	vadd.f32 v3, v4  }
0x14c: {  	s0 =	sand.u32 $0x40, s0;
	s1 =	sand.u32 $0x1C00, s31  }
0x14d: {  	s1 =	sadd.s32 s24, s1;
	s7 =	sor.u32 s25, s0;
	s8 =	sor.u32 s26, s0;
	v3 =	vmax.f32 v3, $-5.000000000e+02  }
0x14e: {  	s16 =	sor.u32 s28, s0;
	s0 =	sor.u32 s29, s0;
	s7 =	sor.u32 s1, s7;
	v3 =	vmin.f32 v3, $5.000000000e+02  }
0x14f: {  	[tilespmem:s4+$0x12100] =	vst v3  }
0x150: {  	v3 =	vld [tilespmem:s7+$0x100]  }
0x151: {  	v4 =	vld [tilespmem:s7+$0x6100];
	_ =	sdelay $0x1  }
0x152: {  	v5 =	vld [tilespmem:s7+$0x12100];
	_ =	sdelay $0x2  }
0x153: {  	v3 =	vadd.f32 v4, v3;
	_ =	sdelay $0x1  }
0x154: {  	v3 =	vadd.f32 v5, v3;
	_ =	sdelay $0x1  }
0x155: {  	v3 =	vmax.f32 v3, $-5.000000000e+02  }
0x156: {  	v3 =	vmin.f32 v3, $5.000000000e+02  }
0x157: {  	s4 =	sor.u32 s1, s8;
	[tilespmem:s7+$0x12100] =	vst v3  }
0x158: {  	v3 =	vld [tilespmem:s4+$0x100]  }
0x159: {  	v4 =	vld [tilespmem:s4+$0x6100];
	_ =	sdelay $0x1  }
0x15a: {  	v5 =	vld [tilespmem:s4+$0x12100];
	_ =	sdelay $0x2  }
0x15b: {  	v3 =	vadd.f32 v4, v3;
	_ =	sdelay $0x1  }
0x15c: {  	v3 =	vadd.f32 v5, v3;
	_ =	sdelay $0x1  }
0x15d: {  	v3 =	vmax.f32 v3, $-5.000000000e+02  }
0x15e: {  	v3 =	vmin.f32 v3, $5.000000000e+02  }
0x15f: {  	[tilespmem:s4+$0x12100] =	vst v3;
	s4 =	sor.u32 s1, s16  }
0x160: {  	v3 =	vld [tilespmem:s4+$0x100]  }
0x161: {  	v4 =	vld [tilespmem:s4+$0x6100];
	_ =	sdelay $0x1  }
0x162: {  	v5 =	vld [tilespmem:s4+$0x12100];
	_ =	sdelay $0x2  }
0x163: {  	v3 =	vadd.f32 v4, v3;
	_ =	sdelay $0x1  }
0x164: {  	v3 =	vadd.f32 v5, v3;
	_ =	sdelay $0x1  }
0x165: {  	v3 =	vmax.f32 v3, $-5.000000000e+02  }
0x166: {  	v3 =	vmin.f32 v3, $5.000000000e+02  }
0x167: {  	[tilespmem:s4+$0x12100] =	vst v3;
	s4 =	sor.u32 s1, s0  }
0x168: {  	v4 =	vld [tilespmem:s4+$0x100]  }
0x169: {  	v5 =	vld [tilespmem:s4+$0x6100]  }
.Ltmp2:
0x16a: {  	v3 =	vld [tilespmem:s4+$0x12100];
	(pc) =	sbr.rel @p0 .LBB2_7-.Ltmp2, $2  }
0x16b: {  	_ =	sdelay $0x2  }
0x16c: {  	v4 =	vadd.f32 v5, v4  }
0x16d: {  	s23 =	sadd.s32 $0x1, s23  }
0x16e: {  	p0 =	sne.s32 s23, $0x20  }
.Ltmp3:
0x16f: {  	v3 =	vadd.f32 v3, v4;
	(pc) =	sbr.rel @p0 .LBB2_6-.Ltmp3, $4  }
0x170: {  	_ = 	snop  }
0x171: {  	v3 =	vmax.f32 v3, $-5.000000000e+02  }
0x172: {  	v3 =	vmin.f32 v3, $5.000000000e+02  }
0x173: {  	[tilespmem:s4+$0x12100] =	vst v3  }
0x174: {  	s0 =	rddreg [dreg:$0xa]  }
0x175: {  	[hbm4b:s0+s2] =	stream.linear.scatter [tilespmem:s21], [sflag:$0x4], $0x6000, $0x38;
	[tilespmem:$0x18100] =	vst v63  }
0x176: {  	_ =	swait.ge [sflag:s13], $0x6000  }
0x177: {  	[sflag:s13] =	ssyncset.done $0x0  }
0x178: {  	[sflag:s13] =	ssyncadd.s32 $0xFFFFA000  }
0x179: {  	_ =	swait.ge [sflag:s13], $0x6000  }
0x17a: {  	s22 =	sadd.s32 $0x1, s22;
	s31 =	rddreg [dreg:$0xb]  }
0x17b: {  	p0 =	sne.s32 s22, s31  }
.Ltmp4:
0x17c: {  	_ = 	snop;
	(pc) =	sbr.rel @p0 .LBB2_1-.Ltmp4, $3  }
0x17d: {  	_ =	sdelay $0x1  }
0x17e: {  	[sflag:s13] =	ssyncset.done $0x0  }
0x17f: {  	s16 =	simm.s32 $0x100;
	[sflag:s13] =	ssyncadd.s32 $0xFFFFA000  }
0x180: {  	_ =	sfence.sel $0x180000  }
0x181: {  	[bflag:$0x0] =	sbarrier.arrive $0xFFFF  }
0x182: {  	_ =	strace $0x90000047  }
0x183: {  	s0 =	stileid.u32;
	[bflag:$0x2] =	sbarrier.arrive $0xFFFF  }
0x184: {  	p0 =	sne.s32 s0, $0x0;
	s0 =	rddreg [dreg:$0x2]  }
0x185: {  	s0 =	sadd.s32 @!p0 $0x100000, s0  }
0x186: {  	[sflag:s0] =	ssyncadd.tile.s32 @!p0 $0x1;
	_ =	shalt  }
.Lfunc_end2:
_tile_overlayer_lowered:
.L_overlay_start_2:
0x187: {  	(tag) =	ssettag $0x2  }
0x188: {  	s0 =	rddreg [dreg:$0x0];
	s2 =	stileid.u32  }
0x189: {  	s1 =	rddreg [dreg:$0x1];
	p0 =	sne.s32 s2, $0x0  }
0x18a: {  	s3 =	rddreg [dreg:$0x2];
	[bflag:$0x3] =	sbarrier.arrive $0xFFFF;
	s2 =	simm.s32 @!p0 $0x1C05  }
0x18b: {  	[timem:s3], [sflag:s2] =	dma.local @!p0 [hbm:s0], s1  }
0x18c: {  	s0 =	simm.s32 @!p0 $0x5  }
0x18d: {  	_ =	swait.ge @!p0 [sflag:s0], s1  }
0x18e: {  	s1 =	ssub.s32 @!p0 $0x0, s1;
	[sflag:s0] =	ssyncset.done @!p0 $0x0  }
0x18f: {  	[sflag:s0] =	ssyncadd.s32 @!p0 s1  }
0x190: {  	[bflag:$0x3] =	sbarrier.arrive $0xFFFF  }
0x191: {  	_ =	shalt  }

</sc_bundles>
